<compile_context>
chip_gen: v7x
topology: tpu7x:2x2x1
jax: 0.10.2.dev20260603
libtpu: 0.0.44.dev20260713+nightly
codegen_flags: <defaults>
</compile_context>

<pallas_src>
import jax
import jax.numpy as jnp
from jax import lax
from jax.experimental import pallas as pl
from jax.experimental.pallas import tpu as pltpu
from jax.experimental.pallas import tpu_sc as plsc

N_NODES = 10000
N_EDGES = 320000
D = 128

NC = 2
NS = 16
NW = NC * NS

CH = 64
EPW = N_EDGES // NW
NFC = EPW // CH
GROUPS = ((0, 40), (40, 40), (80, 40), (120, 36))
TAIL_OFF = NFC * CH
TAIL_E = EPW - TAIL_OFF

SEG = 624
TAIL_R = N_NODES - NS * SEG


def _mm_body(x_ref, w_ref, o_ref):
    o_ref[...] = lax.dot_general(
        x_ref[...], w_ref[...], (((1,), (1,)), ((), ())),
        preferred_element_type=jnp.float32)


def _matmul(x, W):
    return pl.pallas_call(
        _mm_body,
        grid=(10,),
        in_specs=[
            pl.BlockSpec((1000, D), lambda i: (i, 0)),
            pl.BlockSpec((D, D), lambda i: (0, 0)),
        ],
        out_specs=pl.BlockSpec((1000, D), lambda i: (i, 0)),
        out_shape=jax.ShapeDtypeStruct((N_NODES, D), jnp.float32),
    )(x, W)


def _agg_body(h_hbm, src_hbm, dst_hbm, out_hbm,
              src_v, dst_v, rows0, rows1, rows2, rows3,
              g0, g1, g2, g3, s0, s1, s2, s3, y_sh):
    c = lax.axis_index("c")
    s = lax.axis_index("s")
    wid = c * NS + s
    ebase = wid * EPW
    ROWS = (rows0, rows1, rows2, rows3)
    GS = (g0, g1, g2, g3)
    SS = (s0, s1, s2, s3)

    zeros16 = jnp.zeros((16,), jnp.float32)

    def zrow(i, _):
        for j in range(D // 16):
            rows0[i, pl.ds(j * 16, 16)] = zeros16
        return 0

    lax.fori_loop(0, CH, zrow, 0)

    base_row = s * SEG
    for k in range(SEG // CH):
        pltpu.sync_copy(rows0, y_sh.at[pl.ds(base_row + k * CH, CH)])
    rem = SEG % CH
    pltpu.sync_copy(rows0.at[pl.ds(0, rem)],
                    y_sh.at[pl.ds(base_row + (SEG // CH) * CH, rem)])

    @pl.when(s == NS - 1)
    def _():
        pltpu.sync_copy(rows0.at[pl.ds(0, TAIL_R)],
                        y_sh.at[pl.ds(NS * SEG, TAIL_R)])

    plsc.subcore_barrier()

    def gat(lc, b):
        return pltpu.make_async_copy(
            h_hbm.at[src_v.at[pl.ds(lc * CH, CH)]], ROWS[b], GS[b])

    def sca(lc, b):
        return pltpu.make_async_copy(
            ROWS[b], y_sh.at[dst_v.at[pl.ds(lc * CH, CH)]], SS[b])

    for goff, nfull in GROUPS:
        stage = nfull * CH + (TAIL_E if goff == 120 else 0)
        pltpu.sync_copy(src_hbm.at[pl.ds(ebase + goff * CH, stage)],
                        src_v.at[pl.ds(0, stage)])
        pltpu.sync_copy(dst_hbm.at[pl.ds(ebase + goff * CH, stage)],
                        dst_v.at[pl.ds(0, stage)])

        gat(0, 0).start()
        gat(1, 1).start()

        def body(g4, _):
            for b in range(4):
                lc = g4 * 4 + b
                gat(lc, b).wait()
                sca(lc, b).start(add=True)
                b2 = (b + 2) % 4

                @pl.when(lc >= 2)
                def _():
                    sca(lc - 2, b2).wait()

                @pl.when(lc + 2 < nfull)
                def _():
                    gat(lc + 2, b2).start()

            return 0

        lax.fori_loop(0, nfull // 4, body, 0)

        sca(nfull - 2, (nfull - 2) % 4).wait()
        sca(nfull - 1, (nfull - 1) % 4).wait()

    toff = TAIL_OFF - GROUPS[3][0] * CH
    pltpu.sync_copy(h_hbm.at[src_v.at[pl.ds(toff, TAIL_E)]],
                    rows0.at[pl.ds(0, TAIL_E)])
    pltpu.sync_copy(rows0.at[pl.ds(0, TAIL_E)],
                    y_sh.at[dst_v.at[pl.ds(toff, TAIL_E)]], add=True)

    plsc.subcore_barrier()

    pltpu.sync_copy(y_sh.at[pl.ds(base_row, SEG)],
                    out_hbm.at[c, pl.ds(base_row, SEG)])

    @pl.when(s == NS - 1)
    def _():
        pltpu.sync_copy(y_sh.at[pl.ds(NS * SEG, TAIL_R)],
                        out_hbm.at[c, pl.ds(NS * SEG, TAIL_R)])


def _aggregate(h, src, dst):
    mesh = plsc.VectorSubcoreMesh(
        core_axis_name="c", subcore_axis_name="s", num_cores=NC,
        num_subcores=NS)
    f = pl.kernel(
        _agg_body,
        out_type=jax.ShapeDtypeStruct((NC, N_NODES, D), jnp.float32),
        mesh=mesh,
        scratch_types=[
            pltpu.VMEM((2560 + 16,), jnp.int32),
            pltpu.VMEM((2560 + 16,), jnp.int32),
            pltpu.VMEM((CH, D), jnp.float32),
            pltpu.VMEM((CH, D), jnp.float32),
            pltpu.VMEM((CH, D), jnp.float32),
            pltpu.VMEM((CH, D), jnp.float32),
            pltpu.SemaphoreType.DMA,
            pltpu.SemaphoreType.DMA,
            pltpu.SemaphoreType.DMA,
            pltpu.SemaphoreType.DMA,
            pltpu.SemaphoreType.DMA,
            pltpu.SemaphoreType.DMA,
            pltpu.SemaphoreType.DMA,
            pltpu.SemaphoreType.DMA,
            pltpu.VMEM_SHARED((N_NODES, D), jnp.float32),
        ],
    )
    return f(h, src, dst)


def _add_body(a_ref, o_ref):
    o_ref[...] = a_ref[0] + a_ref[1]


def _combine(reps):
    return pl.pallas_call(
        _add_body,
        grid=(10,),
        in_specs=[pl.BlockSpec((NC, 1000, D), lambda i: (0, i, 0))],
        out_specs=pl.BlockSpec((1000, D), lambda i: (i, 0)),
        out_shape=jax.ShapeDtypeStruct((N_NODES, D), jnp.float32),
    )(reps)


def kernel(x, edge_index, W):
    h = _matmul(x, W)
    reps = _aggregate(h, edge_index[0], edge_index[1])
    return _combine(reps)

# --- scband reference (transcript-rebuilt; emitter-appended) ---
"""Pipeline reference for scband-cbmgcninference-5875515261387 (READ-ONLY COPY).

The authoritative reference and input builder live on the scoring server;
editing this copy changes nothing except your own understanding.
"""

import jax, jax.numpy as jnp
import numpy as np

N_NODES = 10000
N_EDGES = 320000
D_IN = 128
D_OUT = 128


def setup_inputs(seed: int = 0) -> dict:
    key = jax.random.key(seed)
    k1, k2 = jax.random.split(key, 2)
    x = jax.random.normal(k1, (N_NODES, D_IN), dtype=jnp.float32)
    rng = np.random.default_rng(0)
    edge_index = jnp.asarray(rng.integers(0, N_NODES, size=(2, N_EDGES)), dtype=jnp.int32)
    # Linear(in_features, out_features, bias=False) weight: [out, in]
    W = jax.random.normal(k2, (D_OUT, D_IN), dtype=jnp.float32) * 0.05
    return {"x": x, "edge_index": edge_index, "W": W}


def reference(x, edge_index, W):
    # x = self.lin(x)  -> x @ W^T
    h = x @ W.T
    # self.a.matmul(x, self.y): sparse adjacency A (from edge_index) times dense h.
    # Row i of y aggregates (sums) features of source nodes over edges into i.
    src = edge_index[0]
    dst = edge_index[1]
    y = jax.ops.segment_sum(h[src], dst, num_segments=N_NODES)
    return y

if __name__ == "__main__":
    import jax
    _d = setup_inputs()
    print(jax.jit(kernel)(*tuple(_d.values())))

</pallas_src>

<mosaic_0001>
#map = affine_map<(d0, d1) -> (0, 0)>
#map1 = affine_map<(d0, d1) -> (0)>
#map2 = affine_map<(d0, d1) -> (0, 0, 0)>
module attributes {stable_mosaic.version = 14 : i64} {
  func.func @_agg_body(%arg0: i32, %arg1: i32, %arg2: memref<10000x128xf32, #tpu.memory_space<hbm>>, %arg3: memref<320000xi32, #tpu.memory_space<hbm>>, %arg4: memref<320000xi32, #tpu.memory_space<hbm>>, %arg5: memref<2x10000x128xf32, #tpu.memory_space<hbm>>, %arg6: memref<2576xi32, #tpu.memory_space<vmem>>, %arg7: memref<2576xi32, #tpu.memory_space<vmem>>, %arg8: memref<64x128xf32, #tpu.memory_space<vmem>>, %arg9: memref<64x128xf32, #tpu.memory_space<vmem>>, %arg10: memref<64x128xf32, #tpu.memory_space<vmem>>, %arg11: memref<64x128xf32, #tpu.memory_space<vmem>>, %arg12: memref<!tpu.dma_semaphore, #tpu.memory_space<semaphore_mem>>, %arg13: memref<!tpu.dma_semaphore, #tpu.memory_space<semaphore_mem>>, %arg14: memref<!tpu.dma_semaphore, #tpu.memory_space<semaphore_mem>>, %arg15: memref<!tpu.dma_semaphore, #tpu.memory_space<semaphore_mem>>, %arg16: memref<!tpu.dma_semaphore, #tpu.memory_space<semaphore_mem>>, %arg17: memref<!tpu.dma_semaphore, #tpu.memory_space<semaphore_mem>>, %arg18: memref<!tpu.dma_semaphore, #tpu.memory_space<semaphore_mem>>, %arg19: memref<!tpu.dma_semaphore, #tpu.memory_space<semaphore_mem>>, %arg20: memref<10000x128xf32, #tpu.memory_space<vmem_shared>>) attributes {dimension_semantics = [#tpu.dimension_semantics<core_parallel>, #tpu.dimension_semantics<subcore_parallel>], iteration_bounds = array<i64: 2, 16>, scalar_prefetch = 0 : i64, scratch_operands = 15 : i64, tpu.core_type = #tpu.core_type<sc_vector_subcore>, window_params = [{transform_indices = #map}, {transform_indices = #map1}, {transform_indices = #map1}, {transform_indices = #map2}]} {
    %mul3A = arith.constant 16 : i32
    %mul3A_0 = arith.muli %arg0, %mul3A : i32
    %add3A = arith.addi %mul3A_0, %arg1 : i32
    %mul3A_1 = arith.constant 10000 : i32
    %mul3A_2 = arith.muli %add3A, %mul3A_1 : i32
    %broadcast_in_dim3A = arith.constant 0.000000e+00 : f32
    %broadcast_in_dim3A_3 = vector.broadcast %broadcast_in_dim3A : f32 to vector<16xf32>
    %scan3A = arith.constant 0 : i32
    %scan3A_4 = arith.constant 0 : i32
    %scan3A_5 = arith.constant 64 : i32
    %scan3A_6 = arith.addi %scan3A_4, %scan3A_5 : i32
    %scan3A_7 = arith.constant 1 : i32
    %scan3A_8 = scf.for %scan3A_162 = %scan3A_4 to %scan3A_6 step %scan3A_7 iter_args(%scan3A_163 = %scan3A) -> (i32)  : i32 {
      %swap3A = arith.index_cast %scan3A_162 : i32 to index
      %swap3A_164 = arith.constant 0 : index
      %swap3A_165 = tpu.vector_load %arg8[%swap3A, %swap3A_164] {strides = array<i32>} : memref<64x128xf32, #tpu.memory_space<vmem>>, vector<1x16xf32>,
      %swap3A_166 = vector.shape_cast %swap3A_165 : vector<1x16xf32> to vector<16xf32>
      %swap3A_167 = vector.shape_cast %broadcast_in_dim3A_3 : vector<16xf32> to vector<1x16xf32>
      tpu.vector_store %arg8[%swap3A, %swap3A_164], %swap3A_167 {strides = array<i32>} : memref<64x128xf32, #tpu.memory_space<vmem>>, vector<1x16xf32>,
      %swap3A_168 = arith.index_cast %scan3A_162 : i32 to index
      %swap3A_169 = arith.constant 16 : index
      %swap3A_170 = tpu.vector_load %arg8[%swap3A_168, %swap3A_169] {strides = array<i32>} : memref<64x128xf32, #tpu.memory_space<vmem>>, vector<1x16xf32>,
      %swap3A_171 = vector.shape_cast %swap3A_170 : vector<1x16xf32> to vector<16xf32>
      %swap3A_172 = vector.shape_cast %broadcast_in_dim3A_3 : vector<16xf32> to vector<1x16xf32>
      tpu.vector_store %arg8[%swap3A_168, %swap3A_169], %swap3A_172 {strides = array<i32>} : memref<64x128xf32, #tpu.memory_space<vmem>>, vector<1x16xf32>,
      %swap3A_173 = arith.index_cast %scan3A_162 : i32 to index
      %swap3A_174 = arith.constant 32 : index
      %swap3A_175 = tpu.vector_load %arg8[%swap3A_173, %swap3A_174] {strides = array<i32>} : memref<64x128xf32, #tpu.memory_space<vmem>>, vector<1x16xf32>,
      %swap3A_176 = vector.shape_cast %swap3A_175 : vector<1x16xf32> to vector<16xf32>
      %swap3A_177 = vector.shape_cast %broadcast_in_dim3A_3 : vector<16xf32> to vector<1x16xf32>
      tpu.vector_store %arg8[%swap3A_173, %swap3A_174], %swap3A_177 {strides = array<i32>} : memref<64x128xf32, #tpu.memory_space<vmem>>, vector<1x16xf32>,
      %swap3A_178 = arith.index_cast %scan3A_162 : i32 to index
      %swap3A_179 = arith.constant 48 : index
      %swap3A_180 = tpu.vector_load %arg8[%swap3A_178, %swap3A_179] {strides = array<i32>} : memref<64x128xf32, #tpu.memory_space<vmem>>, vector<1x16xf32>,
      %swap3A_181 = vector.shape_cast %swap3A_180 : vector<1x16xf32> to vector<16xf32>
      %swap3A_182 = vector.shape_cast %broadcast_in_dim3A_3 : vector<16xf32> to vector<1x16xf32>
      tpu.vector_store %arg8[%swap3A_178, %swap3A_179], %swap3A_182 {strides = array<i32>} : memref<64x128xf32, #tpu.memory_space<vmem>>, vector<1x16xf32>,
      %swap3A_183 = arith.index_cast %scan3A_162 : i32 to index
      %swap3A_184 = arith.constant 64 : index
      %swap3A_185 = tpu.vector_load %arg8[%swap3A_183, %swap3A_184] {strides = array<i32>} : memref<64x128xf32, #tpu.memory_space<vmem>>, vector<1x16xf32>,
      %swap3A_186 = vector.shape_cast %swap3A_185 : vector<1x16xf32> to vector<16xf32>
      %swap3A_187 = vector.shape_cast %broadcast_in_dim3A_3 : vector<16xf32> to vector<1x16xf32>
      tpu.vector_store %arg8[%swap3A_183, %swap3A_184], %swap3A_187 {strides = array<i32>} : memref<64x128xf32, #tpu.memory_space<vmem>>, vector<1x16xf32>,
      %swap3A_188 = arith.index_cast %scan3A_162 : i32 to index
      %swap3A_189 = arith.constant 80 : index
      %swap3A_190 = tpu.vector_load %arg8[%swap3A_188, %swap3A_189] {strides = array<i32>} : memref<64x128xf32, #tpu.memory_space<vmem>>, vector<1x16xf32>,
      %swap3A_191 = vector.shape_cast %swap3A_190 : vector<1x16xf32> to vector<16xf32>
      %swap3A_192 = vector.shape_cast %broadcast_in_dim3A_3 : vector<16xf32> to vector<1x16xf32>
      tpu.vector_store %arg8[%swap3A_188, %swap3A_189], %swap3A_192 {strides = array<i32>} : memref<64x128xf32, #tpu.memory_space<vmem>>, vector<1x16xf32>,
      %swap3A_193 = arith.index_cast %scan3A_162 : i32 to index
      %swap3A_194 = arith.constant 96 : index
      %swap3A_195 = tpu.vector_load %arg8[%swap3A_193, %swap3A_194] {strides = array<i32>} : memref<64x128xf32, #tpu.memory_space<vmem>>, vector<1x16xf32>,
      %swap3A_196 = vector.shape_cast %swap3A_195 : vector<1x16xf32> to vector<16xf32>
      %swap3A_197 = vector.shape_cast %broadcast_in_dim3A_3 : vector<16xf32> to vector<1x16xf32>
      tpu.vector_store %arg8[%swap3A_193, %swap3A_194], %swap3A_197 {strides = array<i32>} : memref<64x128xf32, #tpu.memory_space<vmem>>, vector<1x16xf32>,
      %swap3A_198 = arith.index_cast %scan3A_162 : i32 to index
      %swap3A_199 = arith.constant 112 : index
      %swap3A_200 = tpu.vector_load %arg8[%swap3A_198, %swap3A_199] {strides = array<i32>} : memref<64x128xf32, #tpu.memory_space<vmem>>, vector<1x16xf32>,
      %swap3A_201 = vector.shape_cast %swap3A_200 : vector<1x16xf32> to vector<16xf32>
      %swap3A_202 = vector.shape_cast %broadcast_in_dim3A_3 : vector<16xf32> to vector<1x16xf32>
      tpu.vector_store %arg8[%swap3A_198, %swap3A_199], %swap3A_202 {strides = array<i32>} : memref<64x128xf32, #tpu.memory_space<vmem>>, vector<1x16xf32>,
      %scan3A_203 = arith.constant 0 : i32
      scf.yield %scan3A_203 : i32
    }
    %scan3A_9 = arith.constant 64 : i32
    %mul3A_10 = arith.constant 624 : i32
    %mul3A_11 = arith.muli %arg1, %mul3A_10 : i32
    %add3A_12 = arith.constant 0 : i32
    %add3A_13 = arith.addi %mul3A_11, %add3A_12 : i32
    "tpu.region"() ({
      %run_scoped3A = tpu.sem_alloc : memref<!tpu.dma_semaphore, #tpu.memory_space<semaphore_mem>>
      %dma_start3A_162 = arith.constant 0 : i32
      %dma_start3A_163 = tpu.memref_slice %arg20[%add3A_13, %dma_start3A_162] : memref<10000x128xf32, #tpu.memory_space<vmem_shared>> -> memref<64x128xf32, #tpu.memory_space<vmem_shared>>
      %dma_start3A_164 = arith.constant 0 : i32
      %dma_start3A_165 = tpu.memref_slice %arg20[%add3A_13, %dma_start3A_164] : memref<10000x128xf32, #tpu.memory_space<vmem_shared>> -> memref<64x128xf32, #tpu.memory_space<vmem_shared>>
      tpu.enqueue_dma source(%arg8 : memref<64x128xf32, #tpu.memory_space<vmem>>) target(%dma_start3A_165 : memref<64x128xf32, #tpu.memory_space<vmem_shared>>) target_semaphore(%run_scoped3A : memref<!tpu.dma_semaphore, #tpu.memory_space<semaphore_mem>>)
      %dma_wait3A_166 = arith.constant 0 : i32
      %dma_wait3A_167 = tpu.memref_slice %arg20[%add3A_13, %dma_wait3A_166] : memref<10000x128xf32, #tpu.memory_space<vmem_shared>> -> memref<64x128xf32, #tpu.memory_space<vmem_shared>>
      %dma_wait3A_168 = arith.constant 0 : i32
      %dma_wait3A_169 = tpu.memref_slice %arg20[%add3A_13, %dma_wait3A_168] : memref<10000x128xf32, #tpu.memory_space<vmem_shared>> -> memref<64x128xf32, #tpu.memory_space<vmem_shared>>
      tpu.wait_dma2 semaphore(%run_scoped3A : memref<!tpu.dma_semaphore, #tpu.memory_space<semaphore_mem>>) src(%arg8 : memref<64x128xf32, #tpu.memory_space<vmem>>) dst(%dma_wait3A_169 : memref<64x128xf32, #tpu.memory_space<vmem_shared>>)
      tpu.yield
    }) : () -> ()
    %add3A_14 = arith.constant 64 : i32
    %add3A_15 = arith.addi %mul3A_11, %add3A_14 : i32
    "tpu.region"() ({
      %run_scoped3A = tpu.sem_alloc : memref<!tpu.dma_semaphore, #tpu.memory_space<semaphore_mem>>
      %dma_start3A_162 = arith.constant 0 : i32
      %dma_start3A_163 = tpu.memref_slice %arg20[%add3A_15, %dma_start3A_162] : memref<10000x128xf32, #tpu.memory_space<vmem_shared>> -> memref<64x128xf32, #tpu.memory_space<vmem_shared>>
      %dma_start3A_164 = arith.constant 0 : i32
      %dma_start3A_165 = tpu.memref_slice %arg20[%add3A_15, %dma_start3A_164] : memref<10000x128xf32, #tpu.memory_space<vmem_shared>> -> memref<64x128xf32, #tpu.memory_space<vmem_shared>>
      tpu.enqueue_dma source(%arg8 : memref<64x128xf32, #tpu.memory_space<vmem>>) target(%dma_start3A_165 : memref<64x128xf32, #tpu.memory_space<vmem_shared>>) target_semaphore(%run_scoped3A : memref<!tpu.dma_semaphore, #tpu.memory_space<semaphore_mem>>)
      %dma_wait3A_166 = arith.constant 0 : i32
      %dma_wait3A_167 = tpu.memref_slice %arg20[%add3A_15, %dma_wait3A_166] : memref<10000x128xf32, #tpu.memory_space<vmem_shared>> -> memref<64x128xf32, #tpu.memory_space<vmem_shared>>
      %dma_wait3A_168 = arith.constant 0 : i32
      %dma_wait3A_169 = tpu.memref_slice %arg20[%add3A_15, %dma_wait3A_168] : memref<10000x128xf32, #tpu.memory_space<vmem_shared>> -> memref<64x128xf32, #tpu.memory_space<vmem_shared>>
      tpu.wait_dma2 semaphore(%run_scoped3A : memref<!tpu.dma_semaphore, #tpu.memory_space<semaphore_mem>>) src(%arg8 : memref<64x128xf32, #tpu.memory_space<vmem>>) dst(%dma_wait3A_169 : memref<64x128xf32, #tpu.memory_space<vmem_shared>>)
      tpu.yield
    }) : () -> ()
    %add3A_16 = arith.constant 128 : i32
    %add3A_17 = arith.addi %mul3A_11, %add3A_16 : i32
    "tpu.region"() ({
      %run_scoped3A = tpu.sem_alloc : memref<!tpu.dma_semaphore, #tpu.memory_space<semaphore_mem>>
      %dma_start3A_162 = arith.constant 0 : i32
      %dma_start3A_163 = tpu.memref_slice %arg20[%add3A_17, %dma_start3A_162] : memref<10000x128xf32, #tpu.memory_space<vmem_shared>> -> memref<64x128xf32, #tpu.memory_space<vmem_shared>>
      %dma_start3A_164 = arith.constant 0 : i32
      %dma_start3A_165 = tpu.memref_slice %arg20[%add3A_17, %dma_start3A_164] : memref<10000x128xf32, #tpu.memory_space<vmem_shared>> -> memref<64x128xf32, #tpu.memory_space<vmem_shared>>
      tpu.enqueue_dma source(%arg8 : memref<64x128xf32, #tpu.memory_space<vmem>>) target(%dma_start3A_165 : memref<64x128xf32, #tpu.memory_space<vmem_shared>>) target_semaphore(%run_scoped3A : memref<!tpu.dma_semaphore, #tpu.memory_space<semaphore_mem>>)
      %dma_wait3A_166 = arith.constant 0 : i32
      %dma_wait3A_167 = tpu.memref_slice %arg20[%add3A_17, %dma_wait3A_166] : memref<10000x128xf32, #tpu.memory_space<vmem_shared>> -> memref<64x128xf32, #tpu.memory_space<vmem_shared>>
      %dma_wait3A_168 = arith.constant 0 : i32
      %dma_wait3A_169 = tpu.memref_slice %arg20[%add3A_17, %dma_wait3A_168] : memref<10000x128xf32, #tpu.memory_space<vmem_shared>> -> memref<64x128xf32, #tpu.memory_space<vmem_shared>>
      tpu.wait_dma2 semaphore(%run_scoped3A : memref<!tpu.dma_semaphore, #tpu.memory_space<semaphore_mem>>) src(%arg8 : memref<64x128xf32, #tpu.memory_space<vmem>>) dst(%dma_wait3A_169 : memref<64x128xf32, #tpu.memory_space<vmem_shared>>)
      tpu.yield
    }) : () -> ()
    %add3A_18 = arith.constant 192 : i32
    %add3A_19 = arith.addi %mul3A_11, %add3A_18 : i32
    "tpu.region"() ({
      %run_scoped3A = tpu.sem_alloc : memref<!tpu.dma_semaphore, #tpu.memory_space<semaphore_mem>>
      %dma_start3A_162 = arith.constant 0 : i32
      %dma_start3A_163 = tpu.memref_slice %arg20[%add3A_19, %dma_start3A_162] : memref<10000x128xf32, #tpu.memory_space<vmem_shared>> -> memref<64x128xf32, #tpu.memory_space<vmem_shared>>
      %dma_start3A_164 = arith.constant 0 : i32
      %dma_start3A_165 = tpu.memref_slice %arg20[%add3A_19, %dma_start3A_164] : memref<10000x128xf32, #tpu.memory_space<vmem_shared>> -> memref<64x128xf32, #tpu.memory_space<vmem_shared>>
      tpu.enqueue_dma source(%arg8 : memref<64x128xf32, #tpu.memory_space<vmem>>) target(%dma_start3A_165 : memref<64x128xf32, #tpu.memory_space<vmem_shared>>) target_semaphore(%run_scoped3A : memref<!tpu.dma_semaphore, #tpu.memory_space<semaphore_mem>>)
      %dma_wait3A_166 = arith.constant 0 : i32
      %dma_wait3A_167 = tpu.memref_slice %arg20[%add3A_19, %dma_wait3A_166] : memref<10000x128xf32, #tpu.memory_space<vmem_shared>> -> memref<64x128xf32, #tpu.memory_space<vmem_shared>>
      %dma_wait3A_168 = arith.constant 0 : i32
      %dma_wait3A_169 = tpu.memref_slice %arg20[%add3A_19, %dma_wait3A_168] : memref<10000x128xf32, #tpu.memory_space<vmem_shared>> -> memref<64x128xf32, #tpu.memory_space<vmem_shared>>
      tpu.wait_dma2 semaphore(%run_scoped3A : memref<!tpu.dma_semaphore, #tpu.memory_space<semaphore_mem>>) src(%arg8 : memref<64x128xf32, #tpu.memory_space<vmem>>) dst(%dma_wait3A_169 : memref<64x128xf32, #tpu.memory_space<vmem_shared>>)
      tpu.yield
    }) : () -> ()
    %add3A_20 = arith.constant 256 : i32
    %add3A_21 = arith.addi %mul3A_11, %add3A_20 : i32
    "tpu.region"() ({
      %run_scoped3A = tpu.sem_alloc : memref<!tpu.dma_semaphore, #tpu.memory_space<semaphore_mem>>
      %dma_start3A_162 = arith.constant 0 : i32
      %dma_start3A_163 = tpu.memref_slice %arg20[%add3A_21, %dma_start3A_162] : memref<10000x128xf32, #tpu.memory_space<vmem_shared>> -> memref<64x128xf32, #tpu.memory_space<vmem_shared>>
      %dma_start3A_164 = arith.constant 0 : i32
      %dma_start3A_165 = tpu.memref_slice %arg20[%add3A_21, %dma_start3A_164] : memref<10000x128xf32, #tpu.memory_space<vmem_shared>> -> memref<64x128xf32, #tpu.memory_space<vmem_shared>>
      tpu.enqueue_dma source(%arg8 : memref<64x128xf32, #tpu.memory_space<vmem>>) target(%dma_start3A_165 : memref<64x128xf32, #tpu.memory_space<vmem_shared>>) target_semaphore(%run_scoped3A : memref<!tpu.dma_semaphore, #tpu.memory_space<semaphore_mem>>)
      %dma_wait3A_166 = arith.constant 0 : i32
      %dma_wait3A_167 = tpu.memref_slice %arg20[%add3A_21, %dma_wait3A_166] : memref<10000x128xf32, #tpu.memory_space<vmem_shared>> -> memref<64x128xf32, #tpu.memory_space<vmem_shared>>
      %dma_wait3A_168 = arith.constant 0 : i32
      %dma_wait3A_169 = tpu.memref_slice %arg20[%add3A_21, %dma_wait3A_168] : memref<10000x128xf32, #tpu.memory_space<vmem_shared>> -> memref<64x128xf32, #tpu.memory_space<vmem_shared>>
      tpu.wait_dma2 semaphore(%run_scoped3A : memref<!tpu.dma_semaphore, #tpu.memory_space<semaphore_mem>>) src(%arg8 : memref<64x128xf32, #tpu.memory_space<vmem>>) dst(%dma_wait3A_169 : memref<64x128xf32, #tpu.memory_space<vmem_shared>>)
      tpu.yield
    }) : () -> ()
    %add3A_22 = arith.constant 320 : i32
    %add3A_23 = arith.addi %mul3A_11, %add3A_22 : i32
    "tpu.region"() ({
      %run_scoped3A = tpu.sem_alloc : memref<!tpu.dma_semaphore, #tpu.memory_space<semaphore_mem>>
      %dma_start3A_162 = arith.constant 0 : i32
      %dma_start3A_163 = tpu.memref_slice %arg20[%add3A_23, %dma_start3A_162] : memref<10000x128xf32, #tpu.memory_space<vmem_shared>> -> memref<64x128xf32, #tpu.memory_space<vmem_shared>>
      %dma_start3A_164 = arith.constant 0 : i32
      %dma_start3A_165 = tpu.memref_slice %arg20[%add3A_23, %dma_start3A_164] : memref<10000x128xf32, #tpu.memory_space<vmem_shared>> -> memref<64x128xf32, #tpu.memory_space<vmem_shared>>
      tpu.enqueue_dma source(%arg8 : memref<64x128xf32, #tpu.memory_space<vmem>>) target(%dma_start3A_165 : memref<64x128xf32, #tpu.memory_space<vmem_shared>>) target_semaphore(%run_scoped3A : memref<!tpu.dma_semaphore, #tpu.memory_space<semaphore_mem>>)
      %dma_wait3A_166 = arith.constant 0 : i32
      %dma_wait3A_167 = tpu.memref_slice %arg20[%add3A_23, %dma_wait3A_166] : memref<10000x128xf32, #tpu.memory_space<vmem_shared>> -> memref<64x128xf32, #tpu.memory_space<vmem_shared>>
      %dma_wait3A_168 = arith.constant 0 : i32
      %dma_wait3A_169 = tpu.memref_slice %arg20[%add3A_23, %dma_wait3A_168] : memref<10000x128xf32, #tpu.memory_space<vmem_shared>> -> memref<64x128xf32, #tpu.memory_space<vmem_shared>>
      tpu.wait_dma2 semaphore(%run_scoped3A : memref<!tpu.dma_semaphore, #tpu.memory_space<semaphore_mem>>) src(%arg8 : memref<64x128xf32, #tpu.memory_space<vmem>>) dst(%dma_wait3A_169 : memref<64x128xf32, #tpu.memory_space<vmem_shared>>)
      tpu.yield
    }) : () -> ()
    %add3A_24 = arith.constant 384 : i32
    %add3A_25 = arith.addi %mul3A_11, %add3A_24 : i32
    "tpu.region"() ({
      %run_scoped3A = tpu.sem_alloc : memref<!tpu.dma_semaphore, #tpu.memory_space<semaphore_mem>>
      %dma_start3A_162 = arith.constant 0 : i32
      %dma_start3A_163 = tpu.memref_slice %arg20[%add3A_25, %dma_start3A_162] : memref<10000x128xf32, #tpu.memory_space<vmem_shared>> -> memref<64x128xf32, #tpu.memory_space<vmem_shared>>
      %dma_start3A_164 = arith.constant 0 : i32
      %dma_start3A_165 = tpu.memref_slice %arg20[%add3A_25, %dma_start3A_164] : memref<10000x128xf32, #tpu.memory_space<vmem_shared>> -> memref<64x128xf32, #tpu.memory_space<vmem_shared>>
      tpu.enqueue_dma source(%arg8 : memref<64x128xf32, #tpu.memory_space<vmem>>) target(%dma_start3A_165 : memref<64x128xf32, #tpu.memory_space<vmem_shared>>) target_semaphore(%run_scoped3A : memref<!tpu.dma_semaphore, #tpu.memory_space<semaphore_mem>>)
      %dma_wait3A_166 = arith.constant 0 : i32
      %dma_wait3A_167 = tpu.memref_slice %arg20[%add3A_25, %dma_wait3A_166] : memref<10000x128xf32, #tpu.memory_space<vmem_shared>> -> memref<64x128xf32, #tpu.memory_space<vmem_shared>>
      %dma_wait3A_168 = arith.constant 0 : i32
      %dma_wait3A_169 = tpu.memref_slice %arg20[%add3A_25, %dma_wait3A_168] : memref<10000x128xf32, #tpu.memory_space<vmem_shared>> -> memref<64x128xf32, #tpu.memory_space<vmem_shared>>
      tpu.wait_dma2 semaphore(%run_scoped3A : memref<!tpu.dma_semaphore, #tpu.memory_space<semaphore_mem>>) src(%arg8 : memref<64x128xf32, #tpu.memory_space<vmem>>) dst(%dma_wait3A_169 : memref<64x128xf32, #tpu.memory_space<vmem_shared>>)
      tpu.yield
    }) : () -> ()
    %add3A_26 = arith.constant 448 : i32
    %add3A_27 = arith.addi %mul3A_11, %add3A_26 : i32
    "tpu.region"() ({
      %run_scoped3A = tpu.sem_alloc : memref<!tpu.dma_semaphore, #tpu.memory_space<semaphore_mem>>
      %dma_start3A_162 = arith.constant 0 : i32
      %dma_start3A_163 = tpu.memref_slice %arg20[%add3A_27, %dma_start3A_162] : memref<10000x128xf32, #tpu.memory_space<vmem_shared>> -> memref<64x128xf32, #tpu.memory_space<vmem_shared>>
      %dma_start3A_164 = arith.constant 0 : i32
      %dma_start3A_165 = tpu.memref_slice %arg20[%add3A_27, %dma_start3A_164] : memref<10000x128xf32, #tpu.memory_space<vmem_shared>> -> memref<64x128xf32, #tpu.memory_space<vmem_shared>>
      tpu.enqueue_dma source(%arg8 : memref<64x128xf32, #tpu.memory_space<vmem>>) target(%dma_start3A_165 : memref<64x128xf32, #tpu.memory_space<vmem_shared>>) target_semaphore(%run_scoped3A : memref<!tpu.dma_semaphore, #tpu.memory_space<semaphore_mem>>)
      %dma_wait3A_166 = arith.constant 0 : i32
      %dma_wait3A_167 = tpu.memref_slice %arg20[%add3A_27, %dma_wait3A_166] : memref<10000x128xf32, #tpu.memory_space<vmem_shared>> -> memref<64x128xf32, #tpu.memory_space<vmem_shared>>
      %dma_wait3A_168 = arith.constant 0 : i32
      %dma_wait3A_169 = tpu.memref_slice %arg20[%add3A_27, %dma_wait3A_168] : memref<10000x128xf32, #tpu.memory_space<vmem_shared>> -> memref<64x128xf32, #tpu.memory_space<vmem_shared>>
      tpu.wait_dma2 semaphore(%run_scoped3A : memref<!tpu.dma_semaphore, #tpu.memory_space<semaphore_mem>>) src(%arg8 : memref<64x128xf32, #tpu.memory_space<vmem>>) dst(%dma_wait3A_169 : memref<64x128xf32, #tpu.memory_space<vmem_shared>>)
      tpu.yield
    }) : () -> ()
    %add3A_28 = arith.constant 512 : i32
    %add3A_29 = arith.addi %mul3A_11, %add3A_28 : i32
    "tpu.region"() ({
      %run_scoped3A = tpu.sem_alloc : memref<!tpu.dma_semaphore, #tpu.memory_space<semaphore_mem>>
      %dma_start3A_162 = arith.constant 0 : i32
      %dma_start3A_163 = tpu.memref_slice %arg20[%add3A_29, %dma_start3A_162] : memref<10000x128xf32, #tpu.memory_space<vmem_shared>> -> memref<64x128xf32, #tpu.memory_space<vmem_shared>>
      %dma_start3A_164 = arith.constant 0 : i32
      %dma_start3A_165 = tpu.memref_slice %arg20[%add3A_29, %dma_start3A_164] : memref<10000x128xf32, #tpu.memory_space<vmem_shared>> -> memref<64x128xf32, #tpu.memory_space<vmem_shared>>
      tpu.enqueue_dma source(%arg8 : memref<64x128xf32, #tpu.memory_space<vmem>>) target(%dma_start3A_165 : memref<64x128xf32, #tpu.memory_space<vmem_shared>>) target_semaphore(%run_scoped3A : memref<!tpu.dma_semaphore, #tpu.memory_space<semaphore_mem>>)
      %dma_wait3A_166 = arith.constant 0 : i32
      %dma_wait3A_167 = tpu.memref_slice %arg20[%add3A_29, %dma_wait3A_166] : memref<10000x128xf32, #tpu.memory_space<vmem_shared>> -> memref<64x128xf32, #tpu.memory_space<vmem_shared>>
      %dma_wait3A_168 = arith.constant 0 : i32
      %dma_wait3A_169 = tpu.memref_slice %arg20[%add3A_29, %dma_wait3A_168] : memref<10000x128xf32, #tpu.memory_space<vmem_shared>> -> memref<64x128xf32, #tpu.memory_space<vmem_shared>>
      tpu.wait_dma2 semaphore(%run_scoped3A : memref<!tpu.dma_semaphore, #tpu.memory_space<semaphore_mem>>) src(%arg8 : memref<64x128xf32, #tpu.memory_space<vmem>>) dst(%dma_wait3A_169 : memref<64x128xf32, #tpu.memory_space<vmem_shared>>)
      tpu.yield
    }) : () -> ()
    %add3A_30 = arith.constant 576 : i32
    %add3A_31 = arith.addi %mul3A_11, %add3A_30 : i32
    "tpu.region"() ({
      %run_scoped3A = tpu.sem_alloc : memref<!tpu.dma_semaphore, #tpu.memory_space<semaphore_mem>>
      %dma_start3A_162 = arith.constant 0 : i32
      %dma_start3A_163 = arith.constant 0 : i32
      %dma_start3A_164 = tpu.memref_slice %arg8[%dma_start3A_162, %dma_start3A_163] : memref<64x128xf32, #tpu.memory_space<vmem>> -> memref<48x128xf32, #tpu.memory_space<vmem>>
      %dma_start3A_165 = arith.constant 0 : i32
      %dma_start3A_166 = tpu.memref_slice %arg20[%add3A_31, %dma_start3A_165] : memref<10000x128xf32, #tpu.memory_space<vmem_shared>> -> memref<48x128xf32, #tpu.memory_space<vmem_shared>>
      %dma_start3A_167 = arith.constant 0 : i32
      %dma_start3A_168 = tpu.memref_slice %arg20[%add3A_31, %dma_start3A_167] : memref<10000x128xf32, #tpu.memory_space<vmem_shared>> -> memref<48x128xf32, #tpu.memory_space<vmem_shared>>
      %dma_start3A_169 = arith.constant 0 : i32
      %dma_start3A_170 = arith.constant 0 : i32
      %dma_start3A_171 = tpu.memref_slice %arg8[%dma_start3A_169, %dma_start3A_170] : memref<64x128xf32, #tpu.memory_space<vmem>> -> memref<48x128xf32, #tpu.memory_space<vmem>>
      tpu.enqueue_dma source(%dma_start3A_171 : memref<48x128xf32, #tpu.memory_space<vmem>>) target(%dma_start3A_168 : memref<48x128xf32, #tpu.memory_space<vmem_shared>>) target_semaphore(%run_scoped3A : memref<!tpu.dma_semaphore, #tpu.memory_space<semaphore_mem>>)
      %dma_wait3A_172 = arith.constant 0 : i32
      %dma_wait3A_173 = arith.constant 0 : i32
      %dma_wait3A_174 = tpu.memref_slice %arg8[%dma_wait3A_172, %dma_wait3A_173] : memref<64x128xf32, #tpu.memory_space<vmem>> -> memref<48x128xf32, #tpu.memory_space<vmem>>
      %dma_wait3A_175 = arith.constant 0 : i32
      %dma_wait3A_176 = tpu.memref_slice %arg20[%add3A_31, %dma_wait3A_175] : memref<10000x128xf32, #tpu.memory_space<vmem_shared>> -> memref<48x128xf32, #tpu.memory_space<vmem_shared>>
      %dma_wait3A_177 = arith.constant 0 : i32
      %dma_wait3A_178 = tpu.memref_slice %arg20[%add3A_31, %dma_wait3A_177] : memref<10000x128xf32, #tpu.memory_space<vmem_shared>> -> memref<48x128xf32, #tpu.memory_space<vmem_shared>>
      %dma_wait3A_179 = arith.constant 0 : i32
      %dma_wait3A_180 = arith.constant 0 : i32
      %dma_wait3A_181 = tpu.memref_slice %arg8[%dma_wait3A_179, %dma_wait3A_180] : memref<64x128xf32, #tpu.memory_space<vmem>> -> memref<48x128xf32, #tpu.memory_space<vmem>>
      tpu.wait_dma2 semaphore(%run_scoped3A : memref<!tpu.dma_semaphore, #tpu.memory_space<semaphore_mem>>) src(%dma_wait3A_181 : memref<48x128xf32, #tpu.memory_space<vmem>>) dst(%dma_wait3A_178 : memref<48x128xf32, #tpu.memory_space<vmem_shared>>)
      tpu.yield
    }) : () -> ()
    %eq3A = arith.constant 15 : i32
    %eq3A_32 = arith.cmpi eq, %arg1, %eq3A : i32
    %convert_element_type3A = arith.extui %eq3A_32 : i1 to i32
    %cond3A = arith.constant 0 : i32
    %cond3A_33 = arith.cmpi ne, %convert_element_type3A, %cond3A : i32
    scf.if %cond3A_33 {
      "tpu.region"() ({
        %run_scoped3A = tpu.sem_alloc : memref<!tpu.dma_semaphore, #tpu.memory_space<semaphore_mem>>
        %dma_start3A_162 = arith.constant 0 : i32
        %dma_start3A_163 = arith.constant 0 : i32
        %dma_start3A_164 = tpu.memref_slice %arg8[%dma_start3A_162, %dma_start3A_163] : memref<64x128xf32, #tpu.memory_space<vmem>> -> memref<16x128xf32, #tpu.memory_space<vmem>>
        %dma_start3A_165 = arith.constant 9984 : i32
        %dma_start3A_166 = arith.constant 0 : i32
        %dma_start3A_167 = tpu.memref_slice %arg20[%dma_start3A_165, %dma_start3A_166] : memref<10000x128xf32, #tpu.memory_space<vmem_shared>> -> memref<16x128xf32, #tpu.memory_space<vmem_shared>>
        %dma_start3A_168 = arith.constant 9984 : i32
        %dma_start3A_169 = arith.constant 0 : i32
        %dma_start3A_170 = tpu.memref_slice %arg20[%dma_start3A_168, %dma_start3A_169] : memref<10000x128xf32, #tpu.memory_space<vmem_shared>> -> memref<16x128xf32, #tpu.memory_space<vmem_shared>>
        %dma_start3A_171 = arith.constant 0 : i32
        %dma_start3A_172 = arith.constant 0 : i32
        %dma_start3A_173 = tpu.memref_slice %arg8[%dma_start3A_171, %dma_start3A_172] : memref<64x128xf32, #tpu.memory_space<vmem>> -> memref<16x128xf32, #tpu.memory_space<vmem>>
        tpu.enqueue_dma source(%dma_start3A_173 : memref<16x128xf32, #tpu.memory_space<vmem>>) target(%dma_start3A_170 : memref<16x128xf32, #tpu.memory_space<vmem_shared>>) target_semaphore(%run_scoped3A : memref<!tpu.dma_semaphore, #tpu.memory_space<semaphore_mem>>)
        %dma_wait3A_174 = arith.constant 0 : i32
        %dma_wait3A_175 = arith.constant 0 : i32
        %dma_wait3A_176 = tpu.memref_slice %arg8[%dma_wait3A_174, %dma_wait3A_175] : memref<64x128xf32, #tpu.memory_space<vmem>> -> memref<16x128xf32, #tpu.memory_space<vmem>>
        %dma_wait3A_177 = arith.constant 9984 : i32
        %dma_wait3A_178 = arith.constant 0 : i32
        %dma_wait3A_179 = tpu.memref_slice %arg20[%dma_wait3A_177, %dma_wait3A_178] : memref<10000x128xf32, #tpu.memory_space<vmem_shared>> -> memref<16x128xf32, #tpu.memory_space<vmem_shared>>
        %dma_wait3A_180 = arith.constant 9984 : i32
        %dma_wait3A_181 = arith.constant 0 : i32
        %dma_wait3A_182 = tpu.memref_slice %arg20[%dma_wait3A_180, %dma_wait3A_181] : memref<10000x128xf32, #tpu.memory_space<vmem_shared>> -> memref<16x128xf32, #tpu.memory_space<vmem_shared>>
        %dma_wait3A_183 = arith.constant 0 : i32
        %dma_wait3A_184 = arith.constant 0 : i32
        %dma_wait3A_185 = tpu.memref_slice %arg8[%dma_wait3A_183, %dma_wait3A_184] : memref<64x128xf32, #tpu.memory_space<vmem>> -> memref<16x128xf32, #tpu.memory_space<vmem>>
        tpu.wait_dma2 semaphore(%run_scoped3A : memref<!tpu.dma_semaphore, #tpu.memory_space<semaphore_mem>>) src(%dma_wait3A_185 : memref<16x128xf32, #tpu.memory_space<vmem>>) dst(%dma_wait3A_182 : memref<16x128xf32, #tpu.memory_space<vmem_shared>>)
        tpu.yield
      }) : () -> ()
    } else {
    }
    %barrier3A = arith.constant 0 : index
    tpu.barrier barrier_id(%barrier3A)
    %add3A_34 = arith.constant 0 : i32
    %add3A_35 = arith.addi %mul3A_2, %add3A_34 : i32
    "tpu.region"() ({
      %run_scoped3A = tpu.sem_alloc : memref<!tpu.dma_semaphore, #tpu.memory_space<semaphore_mem>>
      %dma_start3A_162 = arith.constant 0 : i32
      %dma_start3A_163 = tpu.memref_slice %arg6[%dma_start3A_162] : memref<2576xi32, #tpu.memory_space<vmem>> -> memref<2560xi32, #tpu.memory_space<vmem>>
      %dma_start3A_164 = tpu.memref_slice %arg3[%add3A_35] : memref<320000xi32, #tpu.memory_space<hbm>> -> memref<2560xi32, #tpu.memory_space<hbm>>
      %dma_start3A_165 = arith.constant 0 : i32
      %dma_start3A_166 = tpu.memref_slice %arg6[%dma_start3A_165] : memref<2576xi32, #tpu.memory_space<vmem>> -> memref<2560xi32, #tpu.memory_space<vmem>>
      %dma_start3A_167 = tpu.memref_slice %arg3[%add3A_35] : memref<320000xi32, #tpu.memory_space<hbm>> -> memref<2560xi32, #tpu.memory_space<hbm>>
      tpu.enqueue_dma source(%dma_start3A_167 : memref<2560xi32, #tpu.memory_space<hbm>>) target(%dma_start3A_166 : memref<2560xi32, #tpu.memory_space<vmem>>) target_semaphore(%run_scoped3A : memref<!tpu.dma_semaphore, #tpu.memory_space<semaphore_mem>>)
      %dma_wait3A_168 = arith.constant 0 : i32
      %dma_wait3A_169 = tpu.memref_slice %arg6[%dma_wait3A_168] : memref<2576xi32, #tpu.memory_space<vmem>> -> memref<2560xi32, #tpu.memory_space<vmem>>
      %dma_wait3A_170 = tpu.memref_slice %arg3[%add3A_35] : memref<320000xi32, #tpu.memory_space<hbm>> -> memref<2560xi32, #tpu.memory_space<hbm>>
      %dma_wait3A_171 = arith.constant 0 : i32
      %dma_wait3A_172 = tpu.memref_slice %arg6[%dma_wait3A_171] : memref<2576xi32, #tpu.memory_space<vmem>> -> memref<2560xi32, #tpu.memory_space<vmem>>
      %dma_wait3A_173 = tpu.memref_slice %arg3[%add3A_35] : memref<320000xi32, #tpu.memory_space<hbm>> -> memref<2560xi32, #tpu.memory_space<hbm>>
      tpu.wait_dma2 semaphore(%run_scoped3A : memref<!tpu.dma_semaphore, #tpu.memory_space<semaphore_mem>>) src(%dma_wait3A_173 : memref<2560xi32, #tpu.memory_space<hbm>>) dst(%dma_wait3A_172 : memref<2560xi32, #tpu.memory_space<vmem>>)
      tpu.yield
    }) : () -> ()
    %add3A_36 = arith.constant 0 : i32
    %add3A_37 = arith.addi %mul3A_2, %add3A_36 : i32
    "tpu.region"() ({
      %run_scoped3A = tpu.sem_alloc : memref<!tpu.dma_semaphore, #tpu.memory_space<semaphore_mem>>
      %dma_start3A_162 = arith.constant 0 : i32
      %dma_start3A_163 = tpu.memref_slice %arg7[%dma_start3A_162] : memref<2576xi32, #tpu.memory_space<vmem>> -> memref<2560xi32, #tpu.memory_space<vmem>>
      %dma_start3A_164 = tpu.memref_slice %arg4[%add3A_37] : memref<320000xi32, #tpu.memory_space<hbm>> -> memref<2560xi32, #tpu.memory_space<hbm>>
      %dma_start3A_165 = arith.constant 0 : i32
      %dma_start3A_166 = tpu.memref_slice %arg7[%dma_start3A_165] : memref<2576xi32, #tpu.memory_space<vmem>> -> memref<2560xi32, #tpu.memory_space<vmem>>
      %dma_start3A_167 = tpu.memref_slice %arg4[%add3A_37] : memref<320000xi32, #tpu.memory_space<hbm>> -> memref<2560xi32, #tpu.memory_space<hbm>>
      tpu.enqueue_dma source(%dma_start3A_167 : memref<2560xi32, #tpu.memory_space<hbm>>) target(%dma_start3A_166 : memref<2560xi32, #tpu.memory_space<vmem>>) target_semaphore(%run_scoped3A : memref<!tpu.dma_semaphore, #tpu.memory_space<semaphore_mem>>)
      %dma_wait3A_168 = arith.constant 0 : i32
      %dma_wait3A_169 = tpu.memref_slice %arg7[%dma_wait3A_168] : memref<2576xi32, #tpu.memory_space<vmem>> -> memref<2560xi32, #tpu.memory_space<vmem>>
      %dma_wait3A_170 = tpu.memref_slice %arg4[%add3A_37] : memref<320000xi32, #tpu.memory_space<hbm>> -> memref<2560xi32, #tpu.memory_space<hbm>>
      %dma_wait3A_171 = arith.constant 0 : i32
      %dma_wait3A_172 = tpu.memref_slice %arg7[%dma_wait3A_171] : memref<2576xi32, #tpu.memory_space<vmem>> -> memref<2560xi32, #tpu.memory_space<vmem>>
      %dma_wait3A_173 = tpu.memref_slice %arg4[%add3A_37] : memref<320000xi32, #tpu.memory_space<hbm>> -> memref<2560xi32, #tpu.memory_space<hbm>>
      tpu.wait_dma2 semaphore(%run_scoped3A : memref<!tpu.dma_semaphore, #tpu.memory_space<semaphore_mem>>) src(%dma_wait3A_173 : memref<2560xi32, #tpu.memory_space<hbm>>) dst(%dma_wait3A_172 : memref<2560xi32, #tpu.memory_space<vmem>>)
      tpu.yield
    }) : () -> ()
    %dma_start3A = arith.constant 0 : i32
    %dma_start3A_38 = tpu.memref_slice %arg6[%dma_start3A] : memref<2576xi32, #tpu.memory_space<vmem>> -> memref<64xi32, #tpu.memory_space<vmem>>
    %dma_start3A_39 = arith.constant 0 : i32
    %dma_start3A_40 = arith.constant 0 : i32
    %dma_start3A_41 = tpu.memref_slice %arg2[%dma_start3A_39, %dma_start3A_40] : memref<10000x128xf32, #tpu.memory_space<hbm>> -> memref<10000x128xf32, #tpu.memory_space<hbm>>
    tpu.enqueue_indirect_dma source(%dma_start3A_41 : memref<10000x128xf32, #tpu.memory_space<hbm>>) target(%arg8 : memref<64x128xf32, #tpu.memory_space<vmem>>) offsets(%dma_start3A_38 : memref<64xi32, #tpu.memory_space<vmem>>) semaphore(%arg12 : memref<!tpu.dma_semaphore, #tpu.memory_space<semaphore_mem>>)
    %dma_start3A_42 = arith.constant 64 : i32
    %dma_start3A_43 = tpu.memref_slice %arg6[%dma_start3A_42] : memref<2576xi32, #tpu.memory_space<vmem>> -> memref<64xi32, #tpu.memory_space<vmem>>
    %dma_start3A_44 = arith.constant 0 : i32
    %dma_start3A_45 = arith.constant 0 : i32
    %dma_start3A_46 = tpu.memref_slice %arg2[%dma_start3A_44, %dma_start3A_45] : memref<10000x128xf32, #tpu.memory_space<hbm>> -> memref<10000x128xf32, #tpu.memory_space<hbm>>
    tpu.enqueue_indirect_dma source(%dma_start3A_46 : memref<10000x128xf32, #tpu.memory_space<hbm>>) target(%arg9 : memref<64x128xf32, #tpu.memory_space<vmem>>) offsets(%dma_start3A_43 : memref<64xi32, #tpu.memory_space<vmem>>) semaphore(%arg13 : memref<!tpu.dma_semaphore, #tpu.memory_space<semaphore_mem>>)
    %scan3A_47 = arith.constant 0 : i32
    %scan3A_48 = arith.constant 0 : i32
    %scan3A_49 = arith.constant 10 : i32
    %scan3A_50 = arith.addi %scan3A_48, %scan3A_49 : i32
    %scan3A_51 = arith.constant 1 : i32
    %scan3A_52 = scf.for %scan3A_162 = %scan3A_48 to %scan3A_50 step %scan3A_51 iter_args(%scan3A_163 = %scan3A_47) -> (i32)  : i32 {
      %mul3A_164 = arith.constant 4 : i32
      %mul3A_165 = arith.muli %scan3A_162, %mul3A_164 : i32
      %add3A_166 = arith.constant 0 : i32
      %add3A_167 = arith.addi %mul3A_165, %add3A_166 : i32
      %mul3A_168 = arith.constant 64 : i32
      %mul3A_169 = arith.muli %add3A_167, %mul3A_168 : i32
      %dma_wait3A_170 = tpu.memref_slice %arg6[%mul3A_169] : memref<2576xi32, #tpu.memory_space<vmem>> -> memref<64xi32, #tpu.memory_space<vmem>>
      %dma_wait3A_171 = arith.constant 0 : i32
      %dma_wait3A_172 = arith.constant 0 : i32
      %dma_wait3A_173 = tpu.memref_slice %arg2[%dma_wait3A_171, %dma_wait3A_172] : memref<10000x128xf32, #tpu.memory_space<hbm>> -> memref<10000x128xf32, #tpu.memory_space<hbm>>
      tpu.wait_indirect_dma semaphore(%arg12 : memref<!tpu.dma_semaphore, #tpu.memory_space<semaphore_mem>>) src(%dma_wait3A_173 : memref<10000x128xf32, #tpu.memory_space<hbm>>) dst(%arg8 : memref<64x128xf32, #tpu.memory_space<vmem>>)
      %mul3A_174 = arith.constant 64 : i32
      %mul3A_175 = arith.muli %add3A_167, %mul3A_174 : i32
      %dma_start3A_176 = tpu.memref_slice %arg7[%mul3A_175] : memref<2576xi32, #tpu.memory_space<vmem>> -> memref<64xi32, #tpu.memory_space<vmem>>
      %dma_start3A_177 = arith.constant 0 : i32
      %dma_start3A_178 = arith.constant 0 : i32
      %dma_start3A_179 = tpu.memref_slice %arg20[%dma_start3A_177, %dma_start3A_178] : memref<10000x128xf32, #tpu.memory_space<vmem_shared>> -> memref<10000x128xf32, #tpu.memory_space<vmem_shared>>
      tpu.enqueue_indirect_dma source(%arg8 : memref<64x128xf32, #tpu.memory_space<vmem>>) target(%dma_start3A_179 : memref<10000x128xf32, #tpu.memory_space<vmem_shared>>) offsets(%dma_start3A_176 : memref<64xi32, #tpu.memory_space<vmem>>) semaphore(%arg16 : memref<!tpu.dma_semaphore, #tpu.memory_space<semaphore_mem>>) {add = true}
      %ge3A = arith.constant 2 : i32
      %ge3A_180 = arith.cmpi sge, %add3A_167, %ge3A : i32
      %convert_element_type3A_181 = arith.extui %ge3A_180 : i1 to i32
      %cond3A_182 = arith.constant 0 : i32
      %cond3A_183 = arith.cmpi ne, %convert_element_type3A_181, %cond3A_182 : i32
      scf.if %cond3A_183 {
        %sub3A = arith.constant 2 : i32
        %sub3A_275 = arith.subi %add3A_167, %sub3A : i32
        %mul3A_276 = arith.constant 64 : i32
        %mul3A_277 = arith.muli %sub3A_275, %mul3A_276 : i32
        %dma_wait3A_278 = tpu.memref_slice %arg7[%mul3A_277] : memref<2576xi32, #tpu.memory_space<vmem>> -> memref<64xi32, #tpu.memory_space<vmem>>
        %dma_wait3A_279 = arith.constant 0 : i32
        %dma_wait3A_280 = arith.constant 0 : i32
        %dma_wait3A_281 = tpu.memref_slice %arg20[%dma_wait3A_279, %dma_wait3A_280] : memref<10000x128xf32, #tpu.memory_space<vmem_shared>> -> memref<10000x128xf32, #tpu.memory_space<vmem_shared>>
        tpu.wait_indirect_dma semaphore(%arg18 : memref<!tpu.dma_semaphore, #tpu.memory_space<semaphore_mem>>) src(%arg10 : memref<64x128xf32, #tpu.memory_space<vmem>>) dst(%dma_wait3A_281 : memref<10000x128xf32, #tpu.memory_space<vmem_shared>>)
      } else {
      }
      %add3A_184 = arith.constant 2 : i32
      %add3A_185 = arith.addi %add3A_167, %add3A_184 : i32
      %lt3A = arith.constant 40 : i32
      %lt3A_186 = arith.cmpi slt, %add3A_185, %lt3A : i32
      %convert_element_type3A_187 = arith.extui %lt3A_186 : i1 to i32
      %cond3A_188 = arith.constant 0 : i32
      %cond3A_189 = arith.cmpi ne, %convert_element_type3A_187, %cond3A_188 : i32
      scf.if %cond3A_189 {
        %add3A_275 = arith.constant 2 : i32
        %add3A_276 = arith.addi %add3A_167, %add3A_275 : i32
        %mul3A_277 = arith.constant 64 : i32
        %mul3A_278 = arith.muli %add3A_276, %mul3A_277 : i32
        %dma_start3A_279 = tpu.memref_slice %arg6[%mul3A_278] : memref<2576xi32, #tpu.memory_space<vmem>> -> memref<64xi32, #tpu.memory_space<vmem>>
        %dma_start3A_280 = arith.constant 0 : i32
        %dma_start3A_281 = arith.constant 0 : i32
        %dma_start3A_282 = tpu.memref_slice %arg2[%dma_start3A_280, %dma_start3A_281] : memref<10000x128xf32, #tpu.memory_space<hbm>> -> memref<10000x128xf32, #tpu.memory_space<hbm>>
        tpu.enqueue_indirect_dma source(%dma_start3A_282 : memref<10000x128xf32, #tpu.memory_space<hbm>>) target(%arg10 : memref<64x128xf32, #tpu.memory_space<vmem>>) offsets(%dma_start3A_279 : memref<64xi32, #tpu.memory_space<vmem>>) semaphore(%arg14 : memref<!tpu.dma_semaphore, #tpu.memory_space<semaphore_mem>>)
      } else {
      }
      %mul3A_190 = arith.constant 4 : i32
      %mul3A_191 = arith.muli %scan3A_162, %mul3A_190 : i32
      %add3A_192 = arith.constant 1 : i32
      %add3A_193 = arith.addi %mul3A_191, %add3A_192 : i32
      %mul3A_194 = arith.constant 64 : i32
      %mul3A_195 = arith.muli %add3A_193, %mul3A_194 : i32
      %dma_wait3A_196 = tpu.memref_slice %arg6[%mul3A_195] : memref<2576xi32, #tpu.memory_space<vmem>> -> memref<64xi32, #tpu.memory_space<vmem>>
      %dma_wait3A_197 = arith.constant 0 : i32
      %dma_wait3A_198 = arith.constant 0 : i32
      %dma_wait3A_199 = tpu.memref_slice %arg2[%dma_wait3A_197, %dma_wait3A_198] : memref<10000x128xf32, #tpu.memory_space<hbm>> -> memref<10000x128xf32, #tpu.memory_space<hbm>>
      tpu.wait_indirect_dma semaphore(%arg13 : memref<!tpu.dma_semaphore, #tpu.memory_space<semaphore_mem>>) src(%dma_wait3A_199 : memref<10000x128xf32, #tpu.memory_space<hbm>>) dst(%arg9 : memref<64x128xf32, #tpu.memory_space<vmem>>)
      %mul3A_200 = arith.constant 64 : i32
      %mul3A_201 = arith.muli %add3A_193, %mul3A_200 : i32
      %dma_start3A_202 = tpu.memref_slice %arg7[%mul3A_201] : memref<2576xi32, #tpu.memory_space<vmem>> -> memref<64xi32, #tpu.memory_space<vmem>>
      %dma_start3A_203 = arith.constant 0 : i32
      %dma_start3A_204 = arith.constant 0 : i32
      %dma_start3A_205 = tpu.memref_slice %arg20[%dma_start3A_203, %dma_start3A_204] : memref<10000x128xf32, #tpu.memory_space<vmem_shared>> -> memref<10000x128xf32, #tpu.memory_space<vmem_shared>>
      tpu.enqueue_indirect_dma source(%arg9 : memref<64x128xf32, #tpu.memory_space<vmem>>) target(%dma_start3A_205 : memref<10000x128xf32, #tpu.memory_space<vmem_shared>>) offsets(%dma_start3A_202 : memref<64xi32, #tpu.memory_space<vmem>>) semaphore(%arg17 : memref<!tpu.dma_semaphore, #tpu.memory_space<semaphore_mem>>) {add = true}
      %ge3A_206 = arith.constant 2 : i32
      %ge3A_207 = arith.cmpi sge, %add3A_193, %ge3A_206 : i32
      %convert_element_type3A_208 = arith.extui %ge3A_207 : i1 to i32
      %cond3A_209 = arith.constant 0 : i32
      %cond3A_210 = arith.cmpi ne, %convert_element_type3A_208, %cond3A_209 : i32
      scf.if %cond3A_210 {
        %sub3A = arith.constant 2 : i32
        %sub3A_275 = arith.subi %add3A_193, %sub3A : i32
        %mul3A_276 = arith.constant 64 : i32
        %mul3A_277 = arith.muli %sub3A_275, %mul3A_276 : i32
        %dma_wait3A_278 = tpu.memref_slice %arg7[%mul3A_277] : memref<2576xi32, #tpu.memory_space<vmem>> -> memref<64xi32, #tpu.memory_space<vmem>>
        %dma_wait3A_279 = arith.constant 0 : i32
        %dma_wait3A_280 = arith.constant 0 : i32
        %dma_wait3A_281 = tpu.memref_slice %arg20[%dma_wait3A_279, %dma_wait3A_280] : memref<10000x128xf32, #tpu.memory_space<vmem_shared>> -> memref<10000x128xf32, #tpu.memory_space<vmem_shared>>
        tpu.wait_indirect_dma semaphore(%arg19 : memref<!tpu.dma_semaphore, #tpu.memory_space<semaphore_mem>>) src(%arg11 : memref<64x128xf32, #tpu.memory_space<vmem>>) dst(%dma_wait3A_281 : memref<10000x128xf32, #tpu.memory_space<vmem_shared>>)
      } else {
      }
      %add3A_211 = arith.constant 2 : i32
      %add3A_212 = arith.addi %add3A_193, %add3A_211 : i32
      %lt3A_213 = arith.constant 40 : i32
      %lt3A_214 = arith.cmpi slt, %add3A_212, %lt3A_213 : i32
      %convert_element_type3A_215 = arith.extui %lt3A_214 : i1 to i32
      %cond3A_216 = arith.constant 0 : i32
      %cond3A_217 = arith.cmpi ne, %convert_element_type3A_215, %cond3A_216 : i32
      scf.if %cond3A_217 {
        %add3A_275 = arith.constant 2 : i32
        %add3A_276 = arith.addi %add3A_193, %add3A_275 : i32
        %mul3A_277 = arith.constant 64 : i32
        %mul3A_278 = arith.muli %add3A_276, %mul3A_277 : i32
        %dma_start3A_279 = tpu.memref_slice %arg6[%mul3A_278] : memref<2576xi32, #tpu.memory_space<vmem>> -> memref<64xi32, #tpu.memory_space<vmem>>
        %dma_start3A_280 = arith.constant 0 : i32
        %dma_start3A_281 = arith.constant 0 : i32
        %dma_start3A_282 = tpu.memref_slice %arg2[%dma_start3A_280, %dma_start3A_281] : memref<10000x128xf32, #tpu.memory_space<hbm>> -> memref<10000x128xf32, #tpu.memory_space<hbm>>
        tpu.enqueue_indirect_dma source(%dma_start3A_282 : memref<10000x128xf32, #tpu.memory_space<hbm>>) target(%arg11 : memref<64x128xf32, #tpu.memory_space<vmem>>) offsets(%dma_start3A_279 : memref<64xi32, #tpu.memory_space<vmem>>) semaphore(%arg15 : memref<!tpu.dma_semaphore, #tpu.memory_space<semaphore_mem>>)
      } else {
      }
      %mul3A_218 = arith.constant 4 : i32
      %mul3A_219 = arith.muli %scan3A_162, %mul3A_218 : i32
      %add3A_220 = arith.constant 2 : i32
      %add3A_221 = arith.addi %mul3A_219, %add3A_220 : i32
      %mul3A_222 = arith.constant 64 : i32
      %mul3A_223 = arith.muli %add3A_221, %mul3A_222 : i32
      %dma_wait3A_224 = tpu.memref_slice %arg6[%mul3A_223] : memref<2576xi32, #tpu.memory_space<vmem>> -> memref<64xi32, #tpu.memory_space<vmem>>
      %dma_wait3A_225 = arith.constant 0 : i32
      %dma_wait3A_226 = arith.constant 0 : i32
      %dma_wait3A_227 = tpu.memref_slice %arg2[%dma_wait3A_225, %dma_wait3A_226] : memref<10000x128xf32, #tpu.memory_space<hbm>> -> memref<10000x128xf32, #tpu.memory_space<hbm>>
      tpu.wait_indirect_dma semaphore(%arg14 : memref<!tpu.dma_semaphore, #tpu.memory_space<semaphore_mem>>) src(%dma_wait3A_227 : memref<10000x128xf32, #tpu.memory_space<hbm>>) dst(%arg10 : memref<64x128xf32, #tpu.memory_space<vmem>>)
      %mul3A_228 = arith.constant 64 : i32
      %mul3A_229 = arith.muli %add3A_221, %mul3A_228 : i32
      %dma_start3A_230 = tpu.memref_slice %arg7[%mul3A_229] : memref<2576xi32, #tpu.memory_space<vmem>> -> memref<64xi32, #tpu.memory_space<vmem>>
      %dma_start3A_231 = arith.constant 0 : i32
      %dma_start3A_232 = arith.constant 0 : i32
      %dma_start3A_233 = tpu.memref_slice %arg20[%dma_start3A_231, %dma_start3A_232] : memref<10000x128xf32, #tpu.memory_space<vmem_shared>> -> memref<10000x128xf32, #tpu.memory_space<vmem_shared>>
      tpu.enqueue_indirect_dma source(%arg10 : memref<64x128xf32, #tpu.memory_space<vmem>>) target(%dma_start3A_233 : memref<10000x128xf32, #tpu.memory_space<vmem_shared>>) offsets(%dma_start3A_230 : memref<64xi32, #tpu.memory_space<vmem>>) semaphore(%arg18 : memref<!tpu.dma_semaphore, #tpu.memory_space<semaphore_mem>>) {add = true}
      %ge3A_234 = arith.constant 2 : i32
      %ge3A_235 = arith.cmpi sge, %add3A_221, %ge3A_234 : i32
      %convert_element_type3A_236 = arith.extui %ge3A_235 : i1 to i32
      %cond3A_237 = arith.constant 0 : i32
      %cond3A_238 = arith.cmpi ne, %convert_element_type3A_236, %cond3A_237 : i32
      scf.if %cond3A_238 {
        %sub3A = arith.constant 2 : i32
        %sub3A_275 = arith.subi %add3A_221, %sub3A : i32
        %mul3A_276 = arith.constant 64 : i32
        %mul3A_277 = arith.muli %sub3A_275, %mul3A_276 : i32
        %dma_wait3A_278 = tpu.memref_slice %arg7[%mul3A_277] : memref<2576xi32, #tpu.memory_space<vmem>> -> memref<64xi32, #tpu.memory_space<vmem>>
        %dma_wait3A_279 = arith.constant 0 : i32
        %dma_wait3A_280 = arith.constant 0 : i32
        %dma_wait3A_281 = tpu.memref_slice %arg20[%dma_wait3A_279, %dma_wait3A_280] : memref<10000x128xf32, #tpu.memory_space<vmem_shared>> -> memref<10000x128xf32, #tpu.memory_space<vmem_shared>>
        tpu.wait_indirect_dma semaphore(%arg16 : memref<!tpu.dma_semaphore, #tpu.memory_space<semaphore_mem>>) src(%arg8 : memref<64x128xf32, #tpu.memory_space<vmem>>) dst(%dma_wait3A_281 : memref<10000x128xf32, #tpu.memory_space<vmem_shared>>)
      } else {
      }
      %add3A_239 = arith.constant 2 : i32
      %add3A_240 = arith.addi %add3A_221, %add3A_239 : i32
      %lt3A_241 = arith.constant 40 : i32
      %lt3A_242 = arith.cmpi slt, %add3A_240, %lt3A_241 : i32
      %convert_element_type3A_243 = arith.extui %lt3A_242 : i1 to i32
      %cond3A_244 = arith.constant 0 : i32
      %cond3A_245 = arith.cmpi ne, %convert_element_type3A_243, %cond3A_244 : i32
      scf.if %cond3A_245 {
        %add3A_275 = arith.constant 2 : i32
        %add3A_276 = arith.addi %add3A_221, %add3A_275 : i32
        %mul3A_277 = arith.constant 64 : i32
        %mul3A_278 = arith.muli %add3A_276, %mul3A_277 : i32
        %dma_start3A_279 = tpu.memref_slice %arg6[%mul3A_278] : memref<2576xi32, #tpu.memory_space<vmem>> -> memref<64xi32, #tpu.memory_space<vmem>>
        %dma_start3A_280 = arith.constant 0 : i32
        %dma_start3A_281 = arith.constant 0 : i32
        %dma_start3A_282 = tpu.memref_slice %arg2[%dma_start3A_280, %dma_start3A_281] : memref<10000x128xf32, #tpu.memory_space<hbm>> -> memref<10000x128xf32, #tpu.memory_space<hbm>>
        tpu.enqueue_indirect_dma source(%dma_start3A_282 : memref<10000x128xf32, #tpu.memory_space<hbm>>) target(%arg8 : memref<64x128xf32, #tpu.memory_space<vmem>>) offsets(%dma_start3A_279 : memref<64xi32, #tpu.memory_space<vmem>>) semaphore(%arg12 : memref<!tpu.dma_semaphore, #tpu.memory_space<semaphore_mem>>)
      } else {
      }
      %mul3A_246 = arith.constant 4 : i32
      %mul3A_247 = arith.muli %scan3A_162, %mul3A_246 : i32
      %add3A_248 = arith.constant 3 : i32
      %add3A_249 = arith.addi %mul3A_247, %add3A_248 : i32
      %mul3A_250 = arith.constant 64 : i32
      %mul3A_251 = arith.muli %add3A_249, %mul3A_250 : i32
      %dma_wait3A_252 = tpu.memref_slice %arg6[%mul3A_251] : memref<2576xi32, #tpu.memory_space<vmem>> -> memref<64xi32, #tpu.memory_space<vmem>>
      %dma_wait3A_253 = arith.constant 0 : i32
      %dma_wait3A_254 = arith.constant 0 : i32
      %dma_wait3A_255 = tpu.memref_slice %arg2[%dma_wait3A_253, %dma_wait3A_254] : memref<10000x128xf32, #tpu.memory_space<hbm>> -> memref<10000x128xf32, #tpu.memory_space<hbm>>
      tpu.wait_indirect_dma semaphore(%arg15 : memref<!tpu.dma_semaphore, #tpu.memory_space<semaphore_mem>>) src(%dma_wait3A_255 : memref<10000x128xf32, #tpu.memory_space<hbm>>) dst(%arg11 : memref<64x128xf32, #tpu.memory_space<vmem>>)
      %mul3A_256 = arith.constant 64 : i32
      %mul3A_257 = arith.muli %add3A_249, %mul3A_256 : i32
      %dma_start3A_258 = tpu.memref_slice %arg7[%mul3A_257] : memref<2576xi32, #tpu.memory_space<vmem>> -> memref<64xi32, #tpu.memory_space<vmem>>
      %dma_start3A_259 = arith.constant 0 : i32
      %dma_start3A_260 = arith.constant 0 : i32
      %dma_start3A_261 = tpu.memref_slice %arg20[%dma_start3A_259, %dma_start3A_260] : memref<10000x128xf32, #tpu.memory_space<vmem_shared>> -> memref<10000x128xf32, #tpu.memory_space<vmem_shared>>
      tpu.enqueue_indirect_dma source(%arg11 : memref<64x128xf32, #tpu.memory_space<vmem>>) target(%dma_start3A_261 : memref<10000x128xf32, #tpu.memory_space<vmem_shared>>) offsets(%dma_start3A_258 : memref<64xi32, #tpu.memory_space<vmem>>) semaphore(%arg19 : memref<!tpu.dma_semaphore, #tpu.memory_space<semaphore_mem>>) {add = true}
      %ge3A_262 = arith.constant 2 : i32
      %ge3A_263 = arith.cmpi sge, %add3A_249, %ge3A_262 : i32
      %convert_element_type3A_264 = arith.extui %ge3A_263 : i1 to i32
      %cond3A_265 = arith.constant 0 : i32
      %cond3A_266 = arith.cmpi ne, %convert_element_type3A_264, %cond3A_265 : i32
      scf.if %cond3A_266 {
        %sub3A = arith.constant 2 : i32
        %sub3A_275 = arith.subi %add3A_249, %sub3A : i32
        %mul3A_276 = arith.constant 64 : i32
        %mul3A_277 = arith.muli %sub3A_275, %mul3A_276 : i32
        %dma_wait3A_278 = tpu.memref_slice %arg7[%mul3A_277] : memref<2576xi32, #tpu.memory_space<vmem>> -> memref<64xi32, #tpu.memory_space<vmem>>
        %dma_wait3A_279 = arith.constant 0 : i32
        %dma_wait3A_280 = arith.constant 0 : i32
        %dma_wait3A_281 = tpu.memref_slice %arg20[%dma_wait3A_279, %dma_wait3A_280] : memref<10000x128xf32, #tpu.memory_space<vmem_shared>> -> memref<10000x128xf32, #tpu.memory_space<vmem_shared>>
        tpu.wait_indirect_dma semaphore(%arg17 : memref<!tpu.dma_semaphore, #tpu.memory_space<semaphore_mem>>) src(%arg9 : memref<64x128xf32, #tpu.memory_space<vmem>>) dst(%dma_wait3A_281 : memref<10000x128xf32, #tpu.memory_space<vmem_shared>>)
      } else {
      }
      %add3A_267 = arith.constant 2 : i32
      %add3A_268 = arith.addi %add3A_249, %add3A_267 : i32
      %lt3A_269 = arith.constant 40 : i32
      %lt3A_270 = arith.cmpi slt, %add3A_268, %lt3A_269 : i32
      %convert_element_type3A_271 = arith.extui %lt3A_270 : i1 to i32
      %cond3A_272 = arith.constant 0 : i32
      %cond3A_273 = arith.cmpi ne, %convert_element_type3A_271, %cond3A_272 : i32
      scf.if %cond3A_273 {
        %add3A_275 = arith.constant 2 : i32
        %add3A_276 = arith.addi %add3A_249, %add3A_275 : i32
        %mul3A_277 = arith.constant 64 : i32
        %mul3A_278 = arith.muli %add3A_276, %mul3A_277 : i32
        %dma_start3A_279 = tpu.memref_slice %arg6[%mul3A_278] : memref<2576xi32, #tpu.memory_space<vmem>> -> memref<64xi32, #tpu.memory_space<vmem>>
        %dma_start3A_280 = arith.constant 0 : i32
        %dma_start3A_281 = arith.constant 0 : i32
        %dma_start3A_282 = tpu.memref_slice %arg2[%dma_start3A_280, %dma_start3A_281] : memref<10000x128xf32, #tpu.memory_space<hbm>> -> memref<10000x128xf32, #tpu.memory_space<hbm>>
        tpu.enqueue_indirect_dma source(%dma_start3A_282 : memref<10000x128xf32, #tpu.memory_space<hbm>>) target(%arg9 : memref<64x128xf32, #tpu.memory_space<vmem>>) offsets(%dma_start3A_279 : memref<64xi32, #tpu.memory_space<vmem>>) semaphore(%arg13 : memref<!tpu.dma_semaphore, #tpu.memory_space<semaphore_mem>>)
      } else {
      }
      %scan3A_274 = arith.constant 0 : i32
      scf.yield %scan3A_274 : i32
    }
    %scan3A_53 = arith.constant 10 : i32
    %dma_wait3A = arith.constant 2432 : i32
    %dma_wait3A_54 = tpu.memref_slice %arg7[%dma_wait3A] : memref<2576xi32, #tpu.memory_space<vmem>> -> memref<64xi32, #tpu.memory_space<vmem>>
    %dma_wait3A_55 = arith.constant 0 : i32
    %dma_wait3A_56 = arith.constant 0 : i32
    %dma_wait3A_57 = tpu.memref_slice %arg20[%dma_wait3A_55, %dma_wait3A_56] : memref<10000x128xf32, #tpu.memory_space<vmem_shared>> -> memref<10000x128xf32, #tpu.memory_space<vmem_shared>>
    tpu.wait_indirect_dma semaphore(%arg18 : memref<!tpu.dma_semaphore, #tpu.memory_space<semaphore_mem>>) src(%arg10 : memref<64x128xf32, #tpu.memory_space<vmem>>) dst(%dma_wait3A_57 : memref<10000x128xf32, #tpu.memory_space<vmem_shared>>)
    %dma_wait3A_58 = arith.constant 2496 : i32
    %dma_wait3A_59 = tpu.memref_slice %arg7[%dma_wait3A_58] : memref<2576xi32, #tpu.memory_space<vmem>> -> memref<64xi32, #tpu.memory_space<vmem>>
    %dma_wait3A_60 = arith.constant 0 : i32
    %dma_wait3A_61 = arith.constant 0 : i32
    %dma_wait3A_62 = tpu.memref_slice %arg20[%dma_wait3A_60, %dma_wait3A_61] : memref<10000x128xf32, #tpu.memory_space<vmem_shared>> -> memref<10000x128xf32, #tpu.memory_space<vmem_shared>>
    tpu.wait_indirect_dma semaphore(%arg19 : memref<!tpu.dma_semaphore, #tpu.memory_space<semaphore_mem>>) src(%arg11 : memref<64x128xf32, #tpu.memory_space<vmem>>) dst(%dma_wait3A_62 : memref<10000x128xf32, #tpu.memory_space<vmem_shared>>)
    %add3A_63 = arith.constant 2560 : i32
    %add3A_64 = arith.addi %mul3A_2, %add3A_63 : i32
    "tpu.region"() ({
      %run_scoped3A = tpu.sem_alloc : memref<!tpu.dma_semaphore, #tpu.memory_space<semaphore_mem>>
      %dma_start3A_162 = arith.constant 0 : i32
      %dma_start3A_163 = tpu.memref_slice %arg6[%dma_start3A_162] : memref<2576xi32, #tpu.memory_space<vmem>> -> memref<2560xi32, #tpu.memory_space<vmem>>
      %dma_start3A_164 = tpu.memref_slice %arg3[%add3A_64] : memref<320000xi32, #tpu.memory_space<hbm>> -> memref<2560xi32, #tpu.memory_space<hbm>>
      %dma_start3A_165 = arith.constant 0 : i32
      %dma_start3A_166 = tpu.memref_slice %arg6[%dma_start3A_165] : memref<2576xi32, #tpu.memory_space<vmem>> -> memref<2560xi32, #tpu.memory_space<vmem>>
      %dma_start3A_167 = tpu.memref_slice %arg3[%add3A_64] : memref<320000xi32, #tpu.memory_space<hbm>> -> memref<2560xi32, #tpu.memory_space<hbm>>
      tpu.enqueue_dma source(%dma_start3A_167 : memref<2560xi32, #tpu.memory_space<hbm>>) target(%dma_start3A_166 : memref<2560xi32, #tpu.memory_space<vmem>>) target_semaphore(%run_scoped3A : memref<!tpu.dma_semaphore, #tpu.memory_space<semaphore_mem>>)
      %dma_wait3A_168 = arith.constant 0 : i32
      %dma_wait3A_169 = tpu.memref_slice %arg6[%dma_wait3A_168] : memref<2576xi32, #tpu.memory_space<vmem>> -> memref<2560xi32, #tpu.memory_space<vmem>>
      %dma_wait3A_170 = tpu.memref_slice %arg3[%add3A_64] : memref<320000xi32, #tpu.memory_space<hbm>> -> memref<2560xi32, #tpu.memory_space<hbm>>
      %dma_wait3A_171 = arith.constant 0 : i32
      %dma_wait3A_172 = tpu.memref_slice %arg6[%dma_wait3A_171] : memref<2576xi32, #tpu.memory_space<vmem>> -> memref<2560xi32, #tpu.memory_space<vmem>>
      %dma_wait3A_173 = tpu.memref_slice %arg3[%add3A_64] : memref<320000xi32, #tpu.memory_space<hbm>> -> memref<2560xi32, #tpu.memory_space<hbm>>
      tpu.wait_dma2 semaphore(%run_scoped3A : memref<!tpu.dma_semaphore, #tpu.memory_space<semaphore_mem>>) src(%dma_wait3A_173 : memref<2560xi32, #tpu.memory_space<hbm>>) dst(%dma_wait3A_172 : memref<2560xi32, #tpu.memory_space<vmem>>)
      tpu.yield
    }) : () -> ()
    %add3A_65 = arith.constant 2560 : i32
    %add3A_66 = arith.addi %mul3A_2, %add3A_65 : i32
    "tpu.region"() ({
      %run_scoped3A = tpu.sem_alloc : memref<!tpu.dma_semaphore, #tpu.memory_space<semaphore_mem>>
      %dma_start3A_162 = arith.constant 0 : i32
      %dma_start3A_163 = tpu.memref_slice %arg7[%dma_start3A_162] : memref<2576xi32, #tpu.memory_space<vmem>> -> memref<2560xi32, #tpu.memory_space<vmem>>
      %dma_start3A_164 = tpu.memref_slice %arg4[%add3A_66] : memref<320000xi32, #tpu.memory_space<hbm>> -> memref<2560xi32, #tpu.memory_space<hbm>>
      %dma_start3A_165 = arith.constant 0 : i32
      %dma_start3A_166 = tpu.memref_slice %arg7[%dma_start3A_165] : memref<2576xi32, #tpu.memory_space<vmem>> -> memref<2560xi32, #tpu.memory_space<vmem>>
      %dma_start3A_167 = tpu.memref_slice %arg4[%add3A_66] : memref<320000xi32, #tpu.memory_space<hbm>> -> memref<2560xi32, #tpu.memory_space<hbm>>
      tpu.enqueue_dma source(%dma_start3A_167 : memref<2560xi32, #tpu.memory_space<hbm>>) target(%dma_start3A_166 : memref<2560xi32, #tpu.memory_space<vmem>>) target_semaphore(%run_scoped3A : memref<!tpu.dma_semaphore, #tpu.memory_space<semaphore_mem>>)
      %dma_wait3A_168 = arith.constant 0 : i32
      %dma_wait3A_169 = tpu.memref_slice %arg7[%dma_wait3A_168] : memref<2576xi32, #tpu.memory_space<vmem>> -> memref<2560xi32, #tpu.memory_space<vmem>>
      %dma_wait3A_170 = tpu.memref_slice %arg4[%add3A_66] : memref<320000xi32, #tpu.memory_space<hbm>> -> memref<2560xi32, #tpu.memory_space<hbm>>
      %dma_wait3A_171 = arith.constant 0 : i32
      %dma_wait3A_172 = tpu.memref_slice %arg7[%dma_wait3A_171] : memref<2576xi32, #tpu.memory_space<vmem>> -> memref<2560xi32, #tpu.memory_space<vmem>>
      %dma_wait3A_173 = tpu.memref_slice %arg4[%add3A_66] : memref<320000xi32, #tpu.memory_space<hbm>> -> memref<2560xi32, #tpu.memory_space<hbm>>
      tpu.wait_dma2 semaphore(%run_scoped3A : memref<!tpu.dma_semaphore, #tpu.memory_space<semaphore_mem>>) src(%dma_wait3A_173 : memref<2560xi32, #tpu.memory_space<hbm>>) dst(%dma_wait3A_172 : memref<2560xi32, #tpu.memory_space<vmem>>)
      tpu.yield
    }) : () -> ()
    %dma_start3A_67 = arith.constant 0 : i32
    %dma_start3A_68 = tpu.memref_slice %arg6[%dma_start3A_67] : memref<2576xi32, #tpu.memory_space<vmem>> -> memref<64xi32, #tpu.memory_space<vmem>>
    %dma_start3A_69 = arith.constant 0 : i32
    %dma_start3A_70 = arith.constant 0 : i32
    %dma_start3A_71 = tpu.memref_slice %arg2[%dma_start3A_69, %dma_start3A_70] : memref<10000x128xf32, #tpu.memory_space<hbm>> -> memref<10000x128xf32, #tpu.memory_space<hbm>>
    tpu.enqueue_indirect_dma source(%dma_start3A_71 : memref<10000x128xf32, #tpu.memory_space<hbm>>) target(%arg8 : memref<64x128xf32, #tpu.memory_space<vmem>>) offsets(%dma_start3A_68 : memref<64xi32, #tpu.memory_space<vmem>>) semaphore(%arg12 : memref<!tpu.dma_semaphore, #tpu.memory_space<semaphore_mem>>)
    %dma_start3A_72 = arith.constant 64 : i32
    %dma_start3A_73 = tpu.memref_slice %arg6[%dma_start3A_72] : memref<2576xi32, #tpu.memory_space<vmem>> -> memref<64xi32, #tpu.memory_space<vmem>>
    %dma_start3A_74 = arith.constant 0 : i32
    %dma_start3A_75 = arith.constant 0 : i32
    %dma_start3A_76 = tpu.memref_slice %arg2[%dma_start3A_74, %dma_start3A_75] : memref<10000x128xf32, #tpu.memory_space<hbm>> -> memref<10000x128xf32, #tpu.memory_space<hbm>>
    tpu.enqueue_indirect_dma source(%dma_start3A_76 : memref<10000x128xf32, #tpu.memory_space<hbm>>) target(%arg9 : memref<64x128xf32, #tpu.memory_space<vmem>>) offsets(%dma_start3A_73 : memref<64xi32, #tpu.memory_space<vmem>>) semaphore(%arg13 : memref<!tpu.dma_semaphore, #tpu.memory_space<semaphore_mem>>)
    %scan3A_77 = arith.constant 0 : i32
    %scan3A_78 = arith.constant 0 : i32
    %scan3A_79 = arith.constant 10 : i32
    %scan3A_80 = arith.addi %scan3A_78, %scan3A_79 : i32
    %scan3A_81 = arith.constant 1 : i32
    %scan3A_82 = scf.for %scan3A_162 = %scan3A_78 to %scan3A_80 step %scan3A_81 iter_args(%scan3A_163 = %scan3A_77) -> (i32)  : i32 {
      %mul3A_164 = arith.constant 4 : i32
      %mul3A_165 = arith.muli %scan3A_162, %mul3A_164 : i32
      %add3A_166 = arith.constant 0 : i32
      %add3A_167 = arith.addi %mul3A_165, %add3A_166 : i32
      %mul3A_168 = arith.constant 64 : i32
      %mul3A_169 = arith.muli %add3A_167, %mul3A_168 : i32
      %dma_wait3A_170 = tpu.memref_slice %arg6[%mul3A_169] : memref<2576xi32, #tpu.memory_space<vmem>> -> memref<64xi32, #tpu.memory_space<vmem>>
      %dma_wait3A_171 = arith.constant 0 : i32
      %dma_wait3A_172 = arith.constant 0 : i32
      %dma_wait3A_173 = tpu.memref_slice %arg2[%dma_wait3A_171, %dma_wait3A_172] : memref<10000x128xf32, #tpu.memory_space<hbm>> -> memref<10000x128xf32, #tpu.memory_space<hbm>>
      tpu.wait_indirect_dma semaphore(%arg12 : memref<!tpu.dma_semaphore, #tpu.memory_space<semaphore_mem>>) src(%dma_wait3A_173 : memref<10000x128xf32, #tpu.memory_space<hbm>>) dst(%arg8 : memref<64x128xf32, #tpu.memory_space<vmem>>)
      %mul3A_174 = arith.constant 64 : i32
      %mul3A_175 = arith.muli %add3A_167, %mul3A_174 : i32
      %dma_start3A_176 = tpu.memref_slice %arg7[%mul3A_175] : memref<2576xi32, #tpu.memory_space<vmem>> -> memref<64xi32, #tpu.memory_space<vmem>>
      %dma_start3A_177 = arith.constant 0 : i32
      %dma_start3A_178 = arith.constant 0 : i32
      %dma_start3A_179 = tpu.memref_slice %arg20[%dma_start3A_177, %dma_start3A_178] : memref<10000x128xf32, #tpu.memory_space<vmem_shared>> -> memref<10000x128xf32, #tpu.memory_space<vmem_shared>>
      tpu.enqueue_indirect_dma source(%arg8 : memref<64x128xf32, #tpu.memory_space<vmem>>) target(%dma_start3A_179 : memref<10000x128xf32, #tpu.memory_space<vmem_shared>>) offsets(%dma_start3A_176 : memref<64xi32, #tpu.memory_space<vmem>>) semaphore(%arg16 : memref<!tpu.dma_semaphore, #tpu.memory_space<semaphore_mem>>) {add = true}
      %ge3A = arith.constant 2 : i32
      %ge3A_180 = arith.cmpi sge, %add3A_167, %ge3A : i32
      %convert_element_type3A_181 = arith.extui %ge3A_180 : i1 to i32
      %cond3A_182 = arith.constant 0 : i32
      %cond3A_183 = arith.cmpi ne, %convert_element_type3A_181, %cond3A_182 : i32
      scf.if %cond3A_183 {
        %sub3A = arith.constant 2 : i32
        %sub3A_275 = arith.subi %add3A_167, %sub3A : i32
        %mul3A_276 = arith.constant 64 : i32
        %mul3A_277 = arith.muli %sub3A_275, %mul3A_276 : i32
        %dma_wait3A_278 = tpu.memref_slice %arg7[%mul3A_277] : memref<2576xi32, #tpu.memory_space<vmem>> -> memref<64xi32, #tpu.memory_space<vmem>>
        %dma_wait3A_279 = arith.constant 0 : i32
        %dma_wait3A_280 = arith.constant 0 : i32
        %dma_wait3A_281 = tpu.memref_slice %arg20[%dma_wait3A_279, %dma_wait3A_280] : memref<10000x128xf32, #tpu.memory_space<vmem_shared>> -> memref<10000x128xf32, #tpu.memory_space<vmem_shared>>
        tpu.wait_indirect_dma semaphore(%arg18 : memref<!tpu.dma_semaphore, #tpu.memory_space<semaphore_mem>>) src(%arg10 : memref<64x128xf32, #tpu.memory_space<vmem>>) dst(%dma_wait3A_281 : memref<10000x128xf32, #tpu.memory_space<vmem_shared>>)
      } else {
      }
      %add3A_184 = arith.constant 2 : i32
      %add3A_185 = arith.addi %add3A_167, %add3A_184 : i32
      %lt3A = arith.constant 40 : i32
      %lt3A_186 = arith.cmpi slt, %add3A_185, %lt3A : i32
      %convert_element_type3A_187 = arith.extui %lt3A_186 : i1 to i32
      %cond3A_188 = arith.constant 0 : i32
      %cond3A_189 = arith.cmpi ne, %convert_element_type3A_187, %cond3A_188 : i32
      scf.if %cond3A_189 {
        %add3A_275 = arith.constant 2 : i32
        %add3A_276 = arith.addi %add3A_167, %add3A_275 : i32
        %mul3A_277 = arith.constant 64 : i32
        %mul3A_278 = arith.muli %add3A_276, %mul3A_277 : i32
        %dma_start3A_279 = tpu.memref_slice %arg6[%mul3A_278] : memref<2576xi32, #tpu.memory_space<vmem>> -> memref<64xi32, #tpu.memory_space<vmem>>
        %dma_start3A_280 = arith.constant 0 : i32
        %dma_start3A_281 = arith.constant 0 : i32
        %dma_start3A_282 = tpu.memref_slice %arg2[%dma_start3A_280, %dma_start3A_281] : memref<10000x128xf32, #tpu.memory_space<hbm>> -> memref<10000x128xf32, #tpu.memory_space<hbm>>
        tpu.enqueue_indirect_dma source(%dma_start3A_282 : memref<10000x128xf32, #tpu.memory_space<hbm>>) target(%arg10 : memref<64x128xf32, #tpu.memory_space<vmem>>) offsets(%dma_start3A_279 : memref<64xi32, #tpu.memory_space<vmem>>) semaphore(%arg14 : memref<!tpu.dma_semaphore, #tpu.memory_space<semaphore_mem>>)
      } else {
      }
      %mul3A_190 = arith.constant 4 : i32
      %mul3A_191 = arith.muli %scan3A_162, %mul3A_190 : i32
      %add3A_192 = arith.constant 1 : i32
      %add3A_193 = arith.addi %mul3A_191, %add3A_192 : i32
      %mul3A_194 = arith.constant 64 : i32
      %mul3A_195 = arith.muli %add3A_193, %mul3A_194 : i32
      %dma_wait3A_196 = tpu.memref_slice %arg6[%mul3A_195] : memref<2576xi32, #tpu.memory_space<vmem>> -> memref<64xi32, #tpu.memory_space<vmem>>
      %dma_wait3A_197 = arith.constant 0 : i32
      %dma_wait3A_198 = arith.constant 0 : i32
      %dma_wait3A_199 = tpu.memref_slice %arg2[%dma_wait3A_197, %dma_wait3A_198] : memref<10000x128xf32, #tpu.memory_space<hbm>> -> memref<10000x128xf32, #tpu.memory_space<hbm>>
      tpu.wait_indirect_dma semaphore(%arg13 : memref<!tpu.dma_semaphore, #tpu.memory_space<semaphore_mem>>) src(%dma_wait3A_199 : memref<10000x128xf32, #tpu.memory_space<hbm>>) dst(%arg9 : memref<64x128xf32, #tpu.memory_space<vmem>>)
      %mul3A_200 = arith.constant 64 : i32
      %mul3A_201 = arith.muli %add3A_193, %mul3A_200 : i32
      %dma_start3A_202 = tpu.memref_slice %arg7[%mul3A_201] : memref<2576xi32, #tpu.memory_space<vmem>> -> memref<64xi32, #tpu.memory_space<vmem>>
      %dma_start3A_203 = arith.constant 0 : i32
      %dma_start3A_204 = arith.constant 0 : i32
      %dma_start3A_205 = tpu.memref_slice %arg20[%dma_start3A_203, %dma_start3A_204] : memref<10000x128xf32, #tpu.memory_space<vmem_shared>> -> memref<10000x128xf32, #tpu.memory_space<vmem_shared>>
      tpu.enqueue_indirect_dma source(%arg9 : memref<64x128xf32, #tpu.memory_space<vmem>>) target(%dma_start3A_205 : memref<10000x128xf32, #tpu.memory_space<vmem_shared>>) offsets(%dma_start3A_202 : memref<64xi32, #tpu.memory_space<vmem>>) semaphore(%arg17 : memref<!tpu.dma_semaphore, #tpu.memory_space<semaphore_mem>>) {add = true}
      %ge3A_206 = arith.constant 2 : i32
      %ge3A_207 = arith.cmpi sge, %add3A_193, %ge3A_206 : i32
      %convert_element_type3A_208 = arith.extui %ge3A_207 : i1 to i32
      %cond3A_209 = arith.constant 0 : i32
      %cond3A_210 = arith.cmpi ne, %convert_element_type3A_208, %cond3A_209 : i32
      scf.if %cond3A_210 {
        %sub3A = arith.constant 2 : i32
        %sub3A_275 = arith.subi %add3A_193, %sub3A : i32
        %mul3A_276 = arith.constant 64 : i32
        %mul3A_277 = arith.muli %sub3A_275, %mul3A_276 : i32
        %dma_wait3A_278 = tpu.memref_slice %arg7[%mul3A_277] : memref<2576xi32, #tpu.memory_space<vmem>> -> memref<64xi32, #tpu.memory_space<vmem>>
        %dma_wait3A_279 = arith.constant 0 : i32
        %dma_wait3A_280 = arith.constant 0 : i32
        %dma_wait3A_281 = tpu.memref_slice %arg20[%dma_wait3A_279, %dma_wait3A_280] : memref<10000x128xf32, #tpu.memory_space<vmem_shared>> -> memref<10000x128xf32, #tpu.memory_space<vmem_shared>>
        tpu.wait_indirect_dma semaphore(%arg19 : memref<!tpu.dma_semaphore, #tpu.memory_space<semaphore_mem>>) src(%arg11 : memref<64x128xf32, #tpu.memory_space<vmem>>) dst(%dma_wait3A_281 : memref<10000x128xf32, #tpu.memory_space<vmem_shared>>)
      } else {
      }
      %add3A_211 = arith.constant 2 : i32
      %add3A_212 = arith.addi %add3A_193, %add3A_211 : i32
      %lt3A_213 = arith.constant 40 : i32
      %lt3A_214 = arith.cmpi slt, %add3A_212, %lt3A_213 : i32
      %convert_element_type3A_215 = arith.extui %lt3A_214 : i1 to i32
      %cond3A_216 = arith.constant 0 : i32
      %cond3A_217 = arith.cmpi ne, %convert_element_type3A_215, %cond3A_216 : i32
      scf.if %cond3A_217 {
        %add3A_275 = arith.constant 2 : i32
        %add3A_276 = arith.addi %add3A_193, %add3A_275 : i32
        %mul3A_277 = arith.constant 64 : i32
        %mul3A_278 = arith.muli %add3A_276, %mul3A_277 : i32
        %dma_start3A_279 = tpu.memref_slice %arg6[%mul3A_278] : memref<2576xi32, #tpu.memory_space<vmem>> -> memref<64xi32, #tpu.memory_space<vmem>>
        %dma_start3A_280 = arith.constant 0 : i32
        %dma_start3A_281 = arith.constant 0 : i32
        %dma_start3A_282 = tpu.memref_slice %arg2[%dma_start3A_280, %dma_start3A_281] : memref<10000x128xf32, #tpu.memory_space<hbm>> -> memref<10000x128xf32, #tpu.memory_space<hbm>>
        tpu.enqueue_indirect_dma source(%dma_start3A_282 : memref<10000x128xf32, #tpu.memory_space<hbm>>) target(%arg11 : memref<64x128xf32, #tpu.memory_space<vmem>>) offsets(%dma_start3A_279 : memref<64xi32, #tpu.memory_space<vmem>>) semaphore(%arg15 : memref<!tpu.dma_semaphore, #tpu.memory_space<semaphore_mem>>)
      } else {
      }
      %mul3A_218 = arith.constant 4 : i32
      %mul3A_219 = arith.muli %scan3A_162, %mul3A_218 : i32
      %add3A_220 = arith.constant 2 : i32
      %add3A_221 = arith.addi %mul3A_219, %add3A_220 : i32
      %mul3A_222 = arith.constant 64 : i32
      %mul3A_223 = arith.muli %add3A_221, %mul3A_222 : i32
      %dma_wait3A_224 = tpu.memref_slice %arg6[%mul3A_223] : memref<2576xi32, #tpu.memory_space<vmem>> -> memref<64xi32, #tpu.memory_space<vmem>>
      %dma_wait3A_225 = arith.constant 0 : i32
      %dma_wait3A_226 = arith.constant 0 : i32
      %dma_wait3A_227 = tpu.memref_slice %arg2[%dma_wait3A_225, %dma_wait3A_226] : memref<10000x128xf32, #tpu.memory_space<hbm>> -> memref<10000x128xf32, #tpu.memory_space<hbm>>
      tpu.wait_indirect_dma semaphore(%arg14 : memref<!tpu.dma_semaphore, #tpu.memory_space<semaphore_mem>>) src(%dma_wait3A_227 : memref<10000x128xf32, #tpu.memory_space<hbm>>) dst(%arg10 : memref<64x128xf32, #tpu.memory_space<vmem>>)
      %mul3A_228 = arith.constant 64 : i32
      %mul3A_229 = arith.muli %add3A_221, %mul3A_228 : i32
      %dma_start3A_230 = tpu.memref_slice %arg7[%mul3A_229] : memref<2576xi32, #tpu.memory_space<vmem>> -> memref<64xi32, #tpu.memory_space<vmem>>
      %dma_start3A_231 = arith.constant 0 : i32
      %dma_start3A_232 = arith.constant 0 : i32
      %dma_start3A_233 = tpu.memref_slice %arg20[%dma_start3A_231, %dma_start3A_232] : memref<10000x128xf32, #tpu.memory_space<vmem_shared>> -> memref<10000x128xf32, #tpu.memory_space<vmem_shared>>
      tpu.enqueue_indirect_dma source(%arg10 : memref<64x128xf32, #tpu.memory_space<vmem>>) target(%dma_start3A_233 : memref<10000x128xf32, #tpu.memory_space<vmem_shared>>) offsets(%dma_start3A_230 : memref<64xi32, #tpu.memory_space<vmem>>) semaphore(%arg18 : memref<!tpu.dma_semaphore, #tpu.memory_space<semaphore_mem>>) {add = true}
      %ge3A_234 = arith.constant 2 : i32
      %ge3A_235 = arith.cmpi sge, %add3A_221, %ge3A_234 : i32
      %convert_element_type3A_236 = arith.extui %ge3A_235 : i1 to i32
      %cond3A_237 = arith.constant 0 : i32
      %cond3A_238 = arith.cmpi ne, %convert_element_type3A_236, %cond3A_237 : i32
      scf.if %cond3A_238 {
        %sub3A = arith.constant 2 : i32
        %sub3A_275 = arith.subi %add3A_221, %sub3A : i32
        %mul3A_276 = arith.constant 64 : i32
        %mul3A_277 = arith.muli %sub3A_275, %mul3A_276 : i32
        %dma_wait3A_278 = tpu.memref_slice %arg7[%mul3A_277] : memref<2576xi32, #tpu.memory_space<vmem>> -> memref<64xi32, #tpu.memory_space<vmem>>
        %dma_wait3A_279 = arith.constant 0 : i32
        %dma_wait3A_280 = arith.constant 0 : i32
        %dma_wait3A_281 = tpu.memref_slice %arg20[%dma_wait3A_279, %dma_wait3A_280] : memref<10000x128xf32, #tpu.memory_space<vmem_shared>> -> memref<10000x128xf32, #tpu.memory_space<vmem_shared>>
        tpu.wait_indirect_dma semaphore(%arg16 : memref<!tpu.dma_semaphore, #tpu.memory_space<semaphore_mem>>) src(%arg8 : memref<64x128xf32, #tpu.memory_space<vmem>>) dst(%dma_wait3A_281 : memref<10000x128xf32, #tpu.memory_space<vmem_shared>>)
      } else {
      }
      %add3A_239 = arith.constant 2 : i32
      %add3A_240 = arith.addi %add3A_221, %add3A_239 : i32
      %lt3A_241 = arith.constant 40 : i32
      %lt3A_242 = arith.cmpi slt, %add3A_240, %lt3A_241 : i32
      %convert_element_type3A_243 = arith.extui %lt3A_242 : i1 to i32
      %cond3A_244 = arith.constant 0 : i32
      %cond3A_245 = arith.cmpi ne, %convert_element_type3A_243, %cond3A_244 : i32
      scf.if %cond3A_245 {
        %add3A_275 = arith.constant 2 : i32
        %add3A_276 = arith.addi %add3A_221, %add3A_275 : i32
        %mul3A_277 = arith.constant 64 : i32
        %mul3A_278 = arith.muli %add3A_276, %mul3A_277 : i32
        %dma_start3A_279 = tpu.memref_slice %arg6[%mul3A_278] : memref<2576xi32, #tpu.memory_space<vmem>> -> memref<64xi32, #tpu.memory_space<vmem>>
        %dma_start3A_280 = arith.constant 0 : i32
        %dma_start3A_281 = arith.constant 0 : i32
        %dma_start3A_282 = tpu.memref_slice %arg2[%dma_start3A_280, %dma_start3A_281] : memref<10000x128xf32, #tpu.memory_space<hbm>> -> memref<10000x128xf32, #tpu.memory_space<hbm>>
        tpu.enqueue_indirect_dma source(%dma_start3A_282 : memref<10000x128xf32, #tpu.memory_space<hbm>>) target(%arg8 : memref<64x128xf32, #tpu.memory_space<vmem>>) offsets(%dma_start3A_279 : memref<64xi32, #tpu.memory_space<vmem>>) semaphore(%arg12 : memref<!tpu.dma_semaphore, #tpu.memory_space<semaphore_mem>>)
      } else {
      }
      %mul3A_246 = arith.constant 4 : i32
      %mul3A_247 = arith.muli %scan3A_162, %mul3A_246 : i32
      %add3A_248 = arith.constant 3 : i32
      %add3A_249 = arith.addi %mul3A_247, %add3A_248 : i32
      %mul3A_250 = arith.constant 64 : i32
      %mul3A_251 = arith.muli %add3A_249, %mul3A_250 : i32
      %dma_wait3A_252 = tpu.memref_slice %arg6[%mul3A_251] : memref<2576xi32, #tpu.memory_space<vmem>> -> memref<64xi32, #tpu.memory_space<vmem>>
      %dma_wait3A_253 = arith.constant 0 : i32
      %dma_wait3A_254 = arith.constant 0 : i32
      %dma_wait3A_255 = tpu.memref_slice %arg2[%dma_wait3A_253, %dma_wait3A_254] : memref<10000x128xf32, #tpu.memory_space<hbm>> -> memref<10000x128xf32, #tpu.memory_space<hbm>>
      tpu.wait_indirect_dma semaphore(%arg15 : memref<!tpu.dma_semaphore, #tpu.memory_space<semaphore_mem>>) src(%dma_wait3A_255 : memref<10000x128xf32, #tpu.memory_space<hbm>>) dst(%arg11 : memref<64x128xf32, #tpu.memory_space<vmem>>)
      %mul3A_256 = arith.constant 64 : i32
      %mul3A_257 = arith.muli %add3A_249, %mul3A_256 : i32
      %dma_start3A_258 = tpu.memref_slice %arg7[%mul3A_257] : memref<2576xi32, #tpu.memory_space<vmem>> -> memref<64xi32, #tpu.memory_space<vmem>>
      %dma_start3A_259 = arith.constant 0 : i32
      %dma_start3A_260 = arith.constant 0 : i32
      %dma_start3A_261 = tpu.memref_slice %arg20[%dma_start3A_259, %dma_start3A_260] : memref<10000x128xf32, #tpu.memory_space<vmem_shared>> -> memref<10000x128xf32, #tpu.memory_space<vmem_shared>>
      tpu.enqueue_indirect_dma source(%arg11 : memref<64x128xf32, #tpu.memory_space<vmem>>) target(%dma_start3A_261 : memref<10000x128xf32, #tpu.memory_space<vmem_shared>>) offsets(%dma_start3A_258 : memref<64xi32, #tpu.memory_space<vmem>>) semaphore(%arg19 : memref<!tpu.dma_semaphore, #tpu.memory_space<semaphore_mem>>) {add = true}
      %ge3A_262 = arith.constant 2 : i32
      %ge3A_263 = arith.cmpi sge, %add3A_249, %ge3A_262 : i32
      %convert_element_type3A_264 = arith.extui %ge3A_263 : i1 to i32
      %cond3A_265 = arith.constant 0 : i32
      %cond3A_266 = arith.cmpi ne, %convert_element_type3A_264, %cond3A_265 : i32
      scf.if %cond3A_266 {
        %sub3A = arith.constant 2 : i32
        %sub3A_275 = arith.subi %add3A_249, %sub3A : i32
        %mul3A_276 = arith.constant 64 : i32
        %mul3A_277 = arith.muli %sub3A_275, %mul3A_276 : i32
        %dma_wait3A_278 = tpu.memref_slice %arg7[%mul3A_277] : memref<2576xi32, #tpu.memory_space<vmem>> -> memref<64xi32, #tpu.memory_space<vmem>>
        %dma_wait3A_279 = arith.constant 0 : i32
        %dma_wait3A_280 = arith.constant 0 : i32
        %dma_wait3A_281 = tpu.memref_slice %arg20[%dma_wait3A_279, %dma_wait3A_280] : memref<10000x128xf32, #tpu.memory_space<vmem_shared>> -> memref<10000x128xf32, #tpu.memory_space<vmem_shared>>
        tpu.wait_indirect_dma semaphore(%arg17 : memref<!tpu.dma_semaphore, #tpu.memory_space<semaphore_mem>>) src(%arg9 : memref<64x128xf32, #tpu.memory_space<vmem>>) dst(%dma_wait3A_281 : memref<10000x128xf32, #tpu.memory_space<vmem_shared>>)
      } else {
      }
      %add3A_267 = arith.constant 2 : i32
      %add3A_268 = arith.addi %add3A_249, %add3A_267 : i32
      %lt3A_269 = arith.constant 40 : i32
      %lt3A_270 = arith.cmpi slt, %add3A_268, %lt3A_269 : i32
      %convert_element_type3A_271 = arith.extui %lt3A_270 : i1 to i32
      %cond3A_272 = arith.constant 0 : i32
      %cond3A_273 = arith.cmpi ne, %convert_element_type3A_271, %cond3A_272 : i32
      scf.if %cond3A_273 {
        %add3A_275 = arith.constant 2 : i32
        %add3A_276 = arith.addi %add3A_249, %add3A_275 : i32
        %mul3A_277 = arith.constant 64 : i32
        %mul3A_278 = arith.muli %add3A_276, %mul3A_277 : i32
        %dma_start3A_279 = tpu.memref_slice %arg6[%mul3A_278] : memref<2576xi32, #tpu.memory_space<vmem>> -> memref<64xi32, #tpu.memory_space<vmem>>
        %dma_start3A_280 = arith.constant 0 : i32
        %dma_start3A_281 = arith.constant 0 : i32
        %dma_start3A_282 = tpu.memref_slice %arg2[%dma_start3A_280, %dma_start3A_281] : memref<10000x128xf32, #tpu.memory_space<hbm>> -> memref<10000x128xf32, #tpu.memory_space<hbm>>
        tpu.enqueue_indirect_dma source(%dma_start3A_282 : memref<10000x128xf32, #tpu.memory_space<hbm>>) target(%arg9 : memref<64x128xf32, #tpu.memory_space<vmem>>) offsets(%dma_start3A_279 : memref<64xi32, #tpu.memory_space<vmem>>) semaphore(%arg13 : memref<!tpu.dma_semaphore, #tpu.memory_space<semaphore_mem>>)
      } else {
      }
      %scan3A_274 = arith.constant 0 : i32
      scf.yield %scan3A_274 : i32
    }
    %scan3A_83 = arith.constant 10 : i32
    %dma_wait3A_84 = arith.constant 2432 : i32
    %dma_wait3A_85 = tpu.memref_slice %arg7[%dma_wait3A_84] : memref<2576xi32, #tpu.memory_space<vmem>> -> memref<64xi32, #tpu.memory_space<vmem>>
    %dma_wait3A_86 = arith.constant 0 : i32
    %dma_wait3A_87 = arith.constant 0 : i32
    %dma_wait3A_88 = tpu.memref_slice %arg20[%dma_wait3A_86, %dma_wait3A_87] : memref<10000x128xf32, #tpu.memory_space<vmem_shared>> -> memref<10000x128xf32, #tpu.memory_space<vmem_shared>>
    tpu.wait_indirect_dma semaphore(%arg18 : memref<!tpu.dma_semaphore, #tpu.memory_space<semaphore_mem>>) src(%arg10 : memref<64x128xf32, #tpu.memory_space<vmem>>) dst(%dma_wait3A_88 : memref<10000x128xf32, #tpu.memory_space<vmem_shared>>)
    %dma_wait3A_89 = arith.constant 2496 : i32
    %dma_wait3A_90 = tpu.memref_slice %arg7[%dma_wait3A_89] : memref<2576xi32, #tpu.memory_space<vmem>> -> memref<64xi32, #tpu.memory_space<vmem>>
    %dma_wait3A_91 = arith.constant 0 : i32
    %dma_wait3A_92 = arith.constant 0 : i32
    %dma_wait3A_93 = tpu.memref_slice %arg20[%dma_wait3A_91, %dma_wait3A_92] : memref<10000x128xf32, #tpu.memory_space<vmem_shared>> -> memref<10000x128xf32, #tpu.memory_space<vmem_shared>>
    tpu.wait_indirect_dma semaphore(%arg19 : memref<!tpu.dma_semaphore, #tpu.memory_space<semaphore_mem>>) src(%arg11 : memref<64x128xf32, #tpu.memory_space<vmem>>) dst(%dma_wait3A_93 : memref<10000x128xf32, #tpu.memory_space<vmem_shared>>)
    %add3A_94 = arith.constant 5120 : i32
    %add3A_95 = arith.addi %mul3A_2, %add3A_94 : i32
    "tpu.region"() ({
      %run_scoped3A = tpu.sem_alloc : memref<!tpu.dma_semaphore, #tpu.memory_space<semaphore_mem>>
      %dma_start3A_162 = arith.constant 0 : i32
      %dma_start3A_163 = tpu.memref_slice %arg6[%dma_start3A_162] : memref<2576xi32, #tpu.memory_space<vmem>> -> memref<2560xi32, #tpu.memory_space<vmem>>
      %dma_start3A_164 = tpu.memref_slice %arg3[%add3A_95] : memref<320000xi32, #tpu.memory_space<hbm>> -> memref<2560xi32, #tpu.memory_space<hbm>>
      %dma_start3A_165 = arith.constant 0 : i32
      %dma_start3A_166 = tpu.memref_slice %arg6[%dma_start3A_165] : memref<2576xi32, #tpu.memory_space<vmem>> -> memref<2560xi32, #tpu.memory_space<vmem>>
      %dma_start3A_167 = tpu.memref_slice %arg3[%add3A_95] : memref<320000xi32, #tpu.memory_space<hbm>> -> memref<2560xi32, #tpu.memory_space<hbm>>
      tpu.enqueue_dma source(%dma_start3A_167 : memref<2560xi32, #tpu.memory_space<hbm>>) target(%dma_start3A_166 : memref<2560xi32, #tpu.memory_space<vmem>>) target_semaphore(%run_scoped3A : memref<!tpu.dma_semaphore, #tpu.memory_space<semaphore_mem>>)
      %dma_wait3A_168 = arith.constant 0 : i32
      %dma_wait3A_169 = tpu.memref_slice %arg6[%dma_wait3A_168] : memref<2576xi32, #tpu.memory_space<vmem>> -> memref<2560xi32, #tpu.memory_space<vmem>>
      %dma_wait3A_170 = tpu.memref_slice %arg3[%add3A_95] : memref<320000xi32, #tpu.memory_space<hbm>> -> memref<2560xi32, #tpu.memory_space<hbm>>
      %dma_wait3A_171 = arith.constant 0 : i32
      %dma_wait3A_172 = tpu.memref_slice %arg6[%dma_wait3A_171] : memref<2576xi32, #tpu.memory_space<vmem>> -> memref<2560xi32, #tpu.memory_space<vmem>>
      %dma_wait3A_173 = tpu.memref_slice %arg3[%add3A_95] : memref<320000xi32, #tpu.memory_space<hbm>> -> memref<2560xi32, #tpu.memory_space<hbm>>
      tpu.wait_dma2 semaphore(%run_scoped3A : memref<!tpu.dma_semaphore, #tpu.memory_space<semaphore_mem>>) src(%dma_wait3A_173 : memref<2560xi32, #tpu.memory_space<hbm>>) dst(%dma_wait3A_172 : memref<2560xi32, #tpu.memory_space<vmem>>)
      tpu.yield
    }) : () -> ()
    %add3A_96 = arith.constant 5120 : i32
    %add3A_97 = arith.addi %mul3A_2, %add3A_96 : i32
    "tpu.region"() ({
      %run_scoped3A = tpu.sem_alloc : memref<!tpu.dma_semaphore, #tpu.memory_space<semaphore_mem>>
      %dma_start3A_162 = arith.constant 0 : i32
      %dma_start3A_163 = tpu.memref_slice %arg7[%dma_start3A_162] : memref<2576xi32, #tpu.memory_space<vmem>> -> memref<2560xi32, #tpu.memory_space<vmem>>
      %dma_start3A_164 = tpu.memref_slice %arg4[%add3A_97] : memref<320000xi32, #tpu.memory_space<hbm>> -> memref<2560xi32, #tpu.memory_space<hbm>>
      %dma_start3A_165 = arith.constant 0 : i32
      %dma_start3A_166 = tpu.memref_slice %arg7[%dma_start3A_165] : memref<2576xi32, #tpu.memory_space<vmem>> -> memref<2560xi32, #tpu.memory_space<vmem>>
      %dma_start3A_167 = tpu.memref_slice %arg4[%add3A_97] : memref<320000xi32, #tpu.memory_space<hbm>> -> memref<2560xi32, #tpu.memory_space<hbm>>
      tpu.enqueue_dma source(%dma_start3A_167 : memref<2560xi32, #tpu.memory_space<hbm>>) target(%dma_start3A_166 : memref<2560xi32, #tpu.memory_space<vmem>>) target_semaphore(%run_scoped3A : memref<!tpu.dma_semaphore, #tpu.memory_space<semaphore_mem>>)
      %dma_wait3A_168 = arith.constant 0 : i32
      %dma_wait3A_169 = tpu.memref_slice %arg7[%dma_wait3A_168] : memref<2576xi32, #tpu.memory_space<vmem>> -> memref<2560xi32, #tpu.memory_space<vmem>>
      %dma_wait3A_170 = tpu.memref_slice %arg4[%add3A_97] : memref<320000xi32, #tpu.memory_space<hbm>> -> memref<2560xi32, #tpu.memory_space<hbm>>
      %dma_wait3A_171 = arith.constant 0 : i32
      %dma_wait3A_172 = tpu.memref_slice %arg7[%dma_wait3A_171] : memref<2576xi32, #tpu.memory_space<vmem>> -> memref<2560xi32, #tpu.memory_space<vmem>>
      %dma_wait3A_173 = tpu.memref_slice %arg4[%add3A_97] : memref<320000xi32, #tpu.memory_space<hbm>> -> memref<2560xi32, #tpu.memory_space<hbm>>
      tpu.wait_dma2 semaphore(%run_scoped3A : memref<!tpu.dma_semaphore, #tpu.memory_space<semaphore_mem>>) src(%dma_wait3A_173 : memref<2560xi32, #tpu.memory_space<hbm>>) dst(%dma_wait3A_172 : memref<2560xi32, #tpu.memory_space<vmem>>)
      tpu.yield
    }) : () -> ()
    %dma_start3A_98 = arith.constant 0 : i32
    %dma_start3A_99 = tpu.memref_slice %arg6[%dma_start3A_98] : memref<2576xi32, #tpu.memory_space<vmem>> -> memref<64xi32, #tpu.memory_space<vmem>>
    %dma_start3A_100 = arith.constant 0 : i32
    %dma_start3A_101 = arith.constant 0 : i32
    %dma_start3A_102 = tpu.memref_slice %arg2[%dma_start3A_100, %dma_start3A_101] : memref<10000x128xf32, #tpu.memory_space<hbm>> -> memref<10000x128xf32, #tpu.memory_space<hbm>>
    tpu.enqueue_indirect_dma source(%dma_start3A_102 : memref<10000x128xf32, #tpu.memory_space<hbm>>) target(%arg8 : memref<64x128xf32, #tpu.memory_space<vmem>>) offsets(%dma_start3A_99 : memref<64xi32, #tpu.memory_space<vmem>>) semaphore(%arg12 : memref<!tpu.dma_semaphore, #tpu.memory_space<semaphore_mem>>)
    %dma_start3A_103 = arith.constant 64 : i32
    %dma_start3A_104 = tpu.memref_slice %arg6[%dma_start3A_103] : memref<2576xi32, #tpu.memory_space<vmem>> -> memref<64xi32, #tpu.memory_space<vmem>>
    %dma_start3A_105 = arith.constant 0 : i32
    %dma_start3A_106 = arith.constant 0 : i32
    %dma_start3A_107 = tpu.memref_slice %arg2[%dma_start3A_105, %dma_start3A_106] : memref<10000x128xf32, #tpu.memory_space<hbm>> -> memref<10000x128xf32, #tpu.memory_space<hbm>>
    tpu.enqueue_indirect_dma source(%dma_start3A_107 : memref<10000x128xf32, #tpu.memory_space<hbm>>) target(%arg9 : memref<64x128xf32, #tpu.memory_space<vmem>>) offsets(%dma_start3A_104 : memref<64xi32, #tpu.memory_space<vmem>>) semaphore(%arg13 : memref<!tpu.dma_semaphore, #tpu.memory_space<semaphore_mem>>)
    %scan3A_108 = arith.constant 0 : i32
    %scan3A_109 = arith.constant 0 : i32
    %scan3A_110 = arith.constant 10 : i32
    %scan3A_111 = arith.addi %scan3A_109, %scan3A_110 : i32
    %scan3A_112 = arith.constant 1 : i32
    %scan3A_113 = scf.for %scan3A_162 = %scan3A_109 to %scan3A_111 step %scan3A_112 iter_args(%scan3A_163 = %scan3A_108) -> (i32)  : i32 {
      %mul3A_164 = arith.constant 4 : i32
      %mul3A_165 = arith.muli %scan3A_162, %mul3A_164 : i32
      %add3A_166 = arith.constant 0 : i32
      %add3A_167 = arith.addi %mul3A_165, %add3A_166 : i32
      %mul3A_168 = arith.constant 64 : i32
      %mul3A_169 = arith.muli %add3A_167, %mul3A_168 : i32
      %dma_wait3A_170 = tpu.memref_slice %arg6[%mul3A_169] : memref<2576xi32, #tpu.memory_space<vmem>> -> memref<64xi32, #tpu.memory_space<vmem>>
      %dma_wait3A_171 = arith.constant 0 : i32
      %dma_wait3A_172 = arith.constant 0 : i32
      %dma_wait3A_173 = tpu.memref_slice %arg2[%dma_wait3A_171, %dma_wait3A_172] : memref<10000x128xf32, #tpu.memory_space<hbm>> -> memref<10000x128xf32, #tpu.memory_space<hbm>>
      tpu.wait_indirect_dma semaphore(%arg12 : memref<!tpu.dma_semaphore, #tpu.memory_space<semaphore_mem>>) src(%dma_wait3A_173 : memref<10000x128xf32, #tpu.memory_space<hbm>>) dst(%arg8 : memref<64x128xf32, #tpu.memory_space<vmem>>)
      %mul3A_174 = arith.constant 64 : i32
      %mul3A_175 = arith.muli %add3A_167, %mul3A_174 : i32
      %dma_start3A_176 = tpu.memref_slice %arg7[%mul3A_175] : memref<2576xi32, #tpu.memory_space<vmem>> -> memref<64xi32, #tpu.memory_space<vmem>>
      %dma_start3A_177 = arith.constant 0 : i32
      %dma_start3A_178 = arith.constant 0 : i32
      %dma_start3A_179 = tpu.memref_slice %arg20[%dma_start3A_177, %dma_start3A_178] : memref<10000x128xf32, #tpu.memory_space<vmem_shared>> -> memref<10000x128xf32, #tpu.memory_space<vmem_shared>>
      tpu.enqueue_indirect_dma source(%arg8 : memref<64x128xf32, #tpu.memory_space<vmem>>) target(%dma_start3A_179 : memref<10000x128xf32, #tpu.memory_space<vmem_shared>>) offsets(%dma_start3A_176 : memref<64xi32, #tpu.memory_space<vmem>>) semaphore(%arg16 : memref<!tpu.dma_semaphore, #tpu.memory_space<semaphore_mem>>) {add = true}
      %ge3A = arith.constant 2 : i32
      %ge3A_180 = arith.cmpi sge, %add3A_167, %ge3A : i32
      %convert_element_type3A_181 = arith.extui %ge3A_180 : i1 to i32
      %cond3A_182 = arith.constant 0 : i32
      %cond3A_183 = arith.cmpi ne, %convert_element_type3A_181, %cond3A_182 : i32
      scf.if %cond3A_183 {
        %sub3A = arith.constant 2 : i32
        %sub3A_275 = arith.subi %add3A_167, %sub3A : i32
        %mul3A_276 = arith.constant 64 : i32
        %mul3A_277 = arith.muli %sub3A_275, %mul3A_276 : i32
        %dma_wait3A_278 = tpu.memref_slice %arg7[%mul3A_277] : memref<2576xi32, #tpu.memory_space<vmem>> -> memref<64xi32, #tpu.memory_space<vmem>>
        %dma_wait3A_279 = arith.constant 0 : i32
        %dma_wait3A_280 = arith.constant 0 : i32
        %dma_wait3A_281 = tpu.memref_slice %arg20[%dma_wait3A_279, %dma_wait3A_280] : memref<10000x128xf32, #tpu.memory_space<vmem_shared>> -> memref<10000x128xf32, #tpu.memory_space<vmem_shared>>
        tpu.wait_indirect_dma semaphore(%arg18 : memref<!tpu.dma_semaphore, #tpu.memory_space<semaphore_mem>>) src(%arg10 : memref<64x128xf32, #tpu.memory_space<vmem>>) dst(%dma_wait3A_281 : memref<10000x128xf32, #tpu.memory_space<vmem_shared>>)
      } else {
      }
      %add3A_184 = arith.constant 2 : i32
      %add3A_185 = arith.addi %add3A_167, %add3A_184 : i32
      %lt3A = arith.constant 40 : i32
      %lt3A_186 = arith.cmpi slt, %add3A_185, %lt3A : i32
      %convert_element_type3A_187 = arith.extui %lt3A_186 : i1 to i32
      %cond3A_188 = arith.constant 0 : i32
      %cond3A_189 = arith.cmpi ne, %convert_element_type3A_187, %cond3A_188 : i32
      scf.if %cond3A_189 {
        %add3A_275 = arith.constant 2 : i32
        %add3A_276 = arith.addi %add3A_167, %add3A_275 : i32
        %mul3A_277 = arith.constant 64 : i32
        %mul3A_278 = arith.muli %add3A_276, %mul3A_277 : i32
        %dma_start3A_279 = tpu.memref_slice %arg6[%mul3A_278] : memref<2576xi32, #tpu.memory_space<vmem>> -> memref<64xi32, #tpu.memory_space<vmem>>
        %dma_start3A_280 = arith.constant 0 : i32
        %dma_start3A_281 = arith.constant 0 : i32
        %dma_start3A_282 = tpu.memref_slice %arg2[%dma_start3A_280, %dma_start3A_281] : memref<10000x128xf32, #tpu.memory_space<hbm>> -> memref<10000x128xf32, #tpu.memory_space<hbm>>
        tpu.enqueue_indirect_dma source(%dma_start3A_282 : memref<10000x128xf32, #tpu.memory_space<hbm>>) target(%arg10 : memref<64x128xf32, #tpu.memory_space<vmem>>) offsets(%dma_start3A_279 : memref<64xi32, #tpu.memory_space<vmem>>) semaphore(%arg14 : memref<!tpu.dma_semaphore, #tpu.memory_space<semaphore_mem>>)
      } else {
      }
      %mul3A_190 = arith.constant 4 : i32
      %mul3A_191 = arith.muli %scan3A_162, %mul3A_190 : i32
      %add3A_192 = arith.constant 1 : i32
      %add3A_193 = arith.addi %mul3A_191, %add3A_192 : i32
      %mul3A_194 = arith.constant 64 : i32
      %mul3A_195 = arith.muli %add3A_193, %mul3A_194 : i32
      %dma_wait3A_196 = tpu.memref_slice %arg6[%mul3A_195] : memref<2576xi32, #tpu.memory_space<vmem>> -> memref<64xi32, #tpu.memory_space<vmem>>
      %dma_wait3A_197 = arith.constant 0 : i32
      %dma_wait3A_198 = arith.constant 0 : i32
      %dma_wait3A_199 = tpu.memref_slice %arg2[%dma_wait3A_197, %dma_wait3A_198] : memref<10000x128xf32, #tpu.memory_space<hbm>> -> memref<10000x128xf32, #tpu.memory_space<hbm>>
      tpu.wait_indirect_dma semaphore(%arg13 : memref<!tpu.dma_semaphore, #tpu.memory_space<semaphore_mem>>) src(%dma_wait3A_199 : memref<10000x128xf32, #tpu.memory_space<hbm>>) dst(%arg9 : memref<64x128xf32, #tpu.memory_space<vmem>>)
      %mul3A_200 = arith.constant 64 : i32
      %mul3A_201 = arith.muli %add3A_193, %mul3A_200 : i32
      %dma_start3A_202 = tpu.memref_slice %arg7[%mul3A_201] : memref<2576xi32, #tpu.memory_space<vmem>> -> memref<64xi32, #tpu.memory_space<vmem>>
      %dma_start3A_203 = arith.constant 0 : i32
      %dma_start3A_204 = arith.constant 0 : i32
      %dma_start3A_205 = tpu.memref_slice %arg20[%dma_start3A_203, %dma_start3A_204] : memref<10000x128xf32, #tpu.memory_space<vmem_shared>> -> memref<10000x128xf32, #tpu.memory_space<vmem_shared>>
      tpu.enqueue_indirect_dma source(%arg9 : memref<64x128xf32, #tpu.memory_space<vmem>>) target(%dma_start3A_205 : memref<10000x128xf32, #tpu.memory_space<vmem_shared>>) offsets(%dma_start3A_202 : memref<64xi32, #tpu.memory_space<vmem>>) semaphore(%arg17 : memref<!tpu.dma_semaphore, #tpu.memory_space<semaphore_mem>>) {add = true}
      %ge3A_206 = arith.constant 2 : i32
      %ge3A_207 = arith.cmpi sge, %add3A_193, %ge3A_206 : i32
      %convert_element_type3A_208 = arith.extui %ge3A_207 : i1 to i32
      %cond3A_209 = arith.constant 0 : i32
      %cond3A_210 = arith.cmpi ne, %convert_element_type3A_208, %cond3A_209 : i32
      scf.if %cond3A_210 {
        %sub3A = arith.constant 2 : i32
        %sub3A_275 = arith.subi %add3A_193, %sub3A : i32
        %mul3A_276 = arith.constant 64 : i32
        %mul3A_277 = arith.muli %sub3A_275, %mul3A_276 : i32
        %dma_wait3A_278 = tpu.memref_slice %arg7[%mul3A_277] : memref<2576xi32, #tpu.memory_space<vmem>> -> memref<64xi32, #tpu.memory_space<vmem>>
        %dma_wait3A_279 = arith.constant 0 : i32
        %dma_wait3A_280 = arith.constant 0 : i32
        %dma_wait3A_281 = tpu.memref_slice %arg20[%dma_wait3A_279, %dma_wait3A_280] : memref<10000x128xf32, #tpu.memory_space<vmem_shared>> -> memref<10000x128xf32, #tpu.memory_space<vmem_shared>>
        tpu.wait_indirect_dma semaphore(%arg19 : memref<!tpu.dma_semaphore, #tpu.memory_space<semaphore_mem>>) src(%arg11 : memref<64x128xf32, #tpu.memory_space<vmem>>) dst(%dma_wait3A_281 : memref<10000x128xf32, #tpu.memory_space<vmem_shared>>)
      } else {
      }
      %add3A_211 = arith.constant 2 : i32
      %add3A_212 = arith.addi %add3A_193, %add3A_211 : i32
      %lt3A_213 = arith.constant 40 : i32
      %lt3A_214 = arith.cmpi slt, %add3A_212, %lt3A_213 : i32
      %convert_element_type3A_215 = arith.extui %lt3A_214 : i1 to i32
      %cond3A_216 = arith.constant 0 : i32
      %cond3A_217 = arith.cmpi ne, %convert_element_type3A_215, %cond3A_216 : i32
      scf.if %cond3A_217 {
        %add3A_275 = arith.constant 2 : i32
        %add3A_276 = arith.addi %add3A_193, %add3A_275 : i32
        %mul3A_277 = arith.constant 64 : i32
        %mul3A_278 = arith.muli %add3A_276, %mul3A_277 : i32
        %dma_start3A_279 = tpu.memref_slice %arg6[%mul3A_278] : memref<2576xi32, #tpu.memory_space<vmem>> -> memref<64xi32, #tpu.memory_space<vmem>>
        %dma_start3A_280 = arith.constant 0 : i32
        %dma_start3A_281 = arith.constant 0 : i32
        %dma_start3A_282 = tpu.memref_slice %arg2[%dma_start3A_280, %dma_start3A_281] : memref<10000x128xf32, #tpu.memory_space<hbm>> -> memref<10000x128xf32, #tpu.memory_space<hbm>>
        tpu.enqueue_indirect_dma source(%dma_start3A_282 : memref<10000x128xf32, #tpu.memory_space<hbm>>) target(%arg11 : memref<64x128xf32, #tpu.memory_space<vmem>>) offsets(%dma_start3A_279 : memref<64xi32, #tpu.memory_space<vmem>>) semaphore(%arg15 : memref<!tpu.dma_semaphore, #tpu.memory_space<semaphore_mem>>)
      } else {
      }
      %mul3A_218 = arith.constant 4 : i32
      %mul3A_219 = arith.muli %scan3A_162, %mul3A_218 : i32
      %add3A_220 = arith.constant 2 : i32
      %add3A_221 = arith.addi %mul3A_219, %add3A_220 : i32
      %mul3A_222 = arith.constant 64 : i32
      %mul3A_223 = arith.muli %add3A_221, %mul3A_222 : i32
      %dma_wait3A_224 = tpu.memref_slice %arg6[%mul3A_223] : memref<2576xi32, #tpu.memory_space<vmem>> -> memref<64xi32, #tpu.memory_space<vmem>>
      %dma_wait3A_225 = arith.constant 0 : i32
      %dma_wait3A_226 = arith.constant 0 : i32
      %dma_wait3A_227 = tpu.memref_slice %arg2[%dma_wait3A_225, %dma_wait3A_226] : memref<10000x128xf32, #tpu.memory_space<hbm>> -> memref<10000x128xf32, #tpu.memory_space<hbm>>
      tpu.wait_indirect_dma semaphore(%arg14 : memref<!tpu.dma_semaphore, #tpu.memory_space<semaphore_mem>>) src(%dma_wait3A_227 : memref<10000x128xf32, #tpu.memory_space<hbm>>) dst(%arg10 : memref<64x128xf32, #tpu.memory_space<vmem>>)
      %mul3A_228 = arith.constant 64 : i32
      %mul3A_229 = arith.muli %add3A_221, %mul3A_228 : i32
      %dma_start3A_230 = tpu.memref_slice %arg7[%mul3A_229] : memref<2576xi32, #tpu.memory_space<vmem>> -> memref<64xi32, #tpu.memory_space<vmem>>
      %dma_start3A_231 = arith.constant 0 : i32
      %dma_start3A_232 = arith.constant 0 : i32
      %dma_start3A_233 = tpu.memref_slice %arg20[%dma_start3A_231, %dma_start3A_232] : memref<10000x128xf32, #tpu.memory_space<vmem_shared>> -> memref<10000x128xf32, #tpu.memory_space<vmem_shared>>
      tpu.enqueue_indirect_dma source(%arg10 : memref<64x128xf32, #tpu.memory_space<vmem>>) target(%dma_start3A_233 : memref<10000x128xf32, #tpu.memory_space<vmem_shared>>) offsets(%dma_start3A_230 : memref<64xi32, #tpu.memory_space<vmem>>) semaphore(%arg18 : memref<!tpu.dma_semaphore, #tpu.memory_space<semaphore_mem>>) {add = true}
      %ge3A_234 = arith.constant 2 : i32
      %ge3A_235 = arith.cmpi sge, %add3A_221, %ge3A_234 : i32
      %convert_element_type3A_236 = arith.extui %ge3A_235 : i1 to i32
      %cond3A_237 = arith.constant 0 : i32
      %cond3A_238 = arith.cmpi ne, %convert_element_type3A_236, %cond3A_237 : i32
      scf.if %cond3A_238 {
        %sub3A = arith.constant 2 : i32
        %sub3A_275 = arith.subi %add3A_221, %sub3A : i32
        %mul3A_276 = arith.constant 64 : i32
        %mul3A_277 = arith.muli %sub3A_275, %mul3A_276 : i32
        %dma_wait3A_278 = tpu.memref_slice %arg7[%mul3A_277] : memref<2576xi32, #tpu.memory_space<vmem>> -> memref<64xi32, #tpu.memory_space<vmem>>
        %dma_wait3A_279 = arith.constant 0 : i32
        %dma_wait3A_280 = arith.constant 0 : i32
        %dma_wait3A_281 = tpu.memref_slice %arg20[%dma_wait3A_279, %dma_wait3A_280] : memref<10000x128xf32, #tpu.memory_space<vmem_shared>> -> memref<10000x128xf32, #tpu.memory_space<vmem_shared>>
        tpu.wait_indirect_dma semaphore(%arg16 : memref<!tpu.dma_semaphore, #tpu.memory_space<semaphore_mem>>) src(%arg8 : memref<64x128xf32, #tpu.memory_space<vmem>>) dst(%dma_wait3A_281 : memref<10000x128xf32, #tpu.memory_space<vmem_shared>>)
      } else {
      }
      %add3A_239 = arith.constant 2 : i32
      %add3A_240 = arith.addi %add3A_221, %add3A_239 : i32
      %lt3A_241 = arith.constant 40 : i32
      %lt3A_242 = arith.cmpi slt, %add3A_240, %lt3A_241 : i32
      %convert_element_type3A_243 = arith.extui %lt3A_242 : i1 to i32
      %cond3A_244 = arith.constant 0 : i32
      %cond3A_245 = arith.cmpi ne, %convert_element_type3A_243, %cond3A_244 : i32
      scf.if %cond3A_245 {
        %add3A_275 = arith.constant 2 : i32
        %add3A_276 = arith.addi %add3A_221, %add3A_275 : i32
        %mul3A_277 = arith.constant 64 : i32
        %mul3A_278 = arith.muli %add3A_276, %mul3A_277 : i32
        %dma_start3A_279 = tpu.memref_slice %arg6[%mul3A_278] : memref<2576xi32, #tpu.memory_space<vmem>> -> memref<64xi32, #tpu.memory_space<vmem>>
        %dma_start3A_280 = arith.constant 0 : i32
        %dma_start3A_281 = arith.constant 0 : i32
        %dma_start3A_282 = tpu.memref_slice %arg2[%dma_start3A_280, %dma_start3A_281] : memref<10000x128xf32, #tpu.memory_space<hbm>> -> memref<10000x128xf32, #tpu.memory_space<hbm>>
        tpu.enqueue_indirect_dma source(%dma_start3A_282 : memref<10000x128xf32, #tpu.memory_space<hbm>>) target(%arg8 : memref<64x128xf32, #tpu.memory_space<vmem>>) offsets(%dma_start3A_279 : memref<64xi32, #tpu.memory_space<vmem>>) semaphore(%arg12 : memref<!tpu.dma_semaphore, #tpu.memory_space<semaphore_mem>>)
      } else {
      }
      %mul3A_246 = arith.constant 4 : i32
      %mul3A_247 = arith.muli %scan3A_162, %mul3A_246 : i32
      %add3A_248 = arith.constant 3 : i32
      %add3A_249 = arith.addi %mul3A_247, %add3A_248 : i32
      %mul3A_250 = arith.constant 64 : i32
      %mul3A_251 = arith.muli %add3A_249, %mul3A_250 : i32
      %dma_wait3A_252 = tpu.memref_slice %arg6[%mul3A_251] : memref<2576xi32, #tpu.memory_space<vmem>> -> memref<64xi32, #tpu.memory_space<vmem>>
      %dma_wait3A_253 = arith.constant 0 : i32
      %dma_wait3A_254 = arith.constant 0 : i32
      %dma_wait3A_255 = tpu.memref_slice %arg2[%dma_wait3A_253, %dma_wait3A_254] : memref<10000x128xf32, #tpu.memory_space<hbm>> -> memref<10000x128xf32, #tpu.memory_space<hbm>>
      tpu.wait_indirect_dma semaphore(%arg15 : memref<!tpu.dma_semaphore, #tpu.memory_space<semaphore_mem>>) src(%dma_wait3A_255 : memref<10000x128xf32, #tpu.memory_space<hbm>>) dst(%arg11 : memref<64x128xf32, #tpu.memory_space<vmem>>)
      %mul3A_256 = arith.constant 64 : i32
      %mul3A_257 = arith.muli %add3A_249, %mul3A_256 : i32
      %dma_start3A_258 = tpu.memref_slice %arg7[%mul3A_257] : memref<2576xi32, #tpu.memory_space<vmem>> -> memref<64xi32, #tpu.memory_space<vmem>>
      %dma_start3A_259 = arith.constant 0 : i32
      %dma_start3A_260 = arith.constant 0 : i32
      %dma_start3A_261 = tpu.memref_slice %arg20[%dma_start3A_259, %dma_start3A_260] : memref<10000x128xf32, #tpu.memory_space<vmem_shared>> -> memref<10000x128xf32, #tpu.memory_space<vmem_shared>>
      tpu.enqueue_indirect_dma source(%arg11 : memref<64x128xf32, #tpu.memory_space<vmem>>) target(%dma_start3A_261 : memref<10000x128xf32, #tpu.memory_space<vmem_shared>>) offsets(%dma_start3A_258 : memref<64xi32, #tpu.memory_space<vmem>>) semaphore(%arg19 : memref<!tpu.dma_semaphore, #tpu.memory_space<semaphore_mem>>) {add = true}
      %ge3A_262 = arith.constant 2 : i32
      %ge3A_263 = arith.cmpi sge, %add3A_249, %ge3A_262 : i32
      %convert_element_type3A_264 = arith.extui %ge3A_263 : i1 to i32
      %cond3A_265 = arith.constant 0 : i32
      %cond3A_266 = arith.cmpi ne, %convert_element_type3A_264, %cond3A_265 : i32
      scf.if %cond3A_266 {
        %sub3A = arith.constant 2 : i32
        %sub3A_275 = arith.subi %add3A_249, %sub3A : i32
        %mul3A_276 = arith.constant 64 : i32
        %mul3A_277 = arith.muli %sub3A_275, %mul3A_276 : i32
        %dma_wait3A_278 = tpu.memref_slice %arg7[%mul3A_277] : memref<2576xi32, #tpu.memory_space<vmem>> -> memref<64xi32, #tpu.memory_space<vmem>>
        %dma_wait3A_279 = arith.constant 0 : i32
        %dma_wait3A_280 = arith.constant 0 : i32
        %dma_wait3A_281 = tpu.memref_slice %arg20[%dma_wait3A_279, %dma_wait3A_280] : memref<10000x128xf32, #tpu.memory_space<vmem_shared>> -> memref<10000x128xf32, #tpu.memory_space<vmem_shared>>
        tpu.wait_indirect_dma semaphore(%arg17 : memref<!tpu.dma_semaphore, #tpu.memory_space<semaphore_mem>>) src(%arg9 : memref<64x128xf32, #tpu.memory_space<vmem>>) dst(%dma_wait3A_281 : memref<10000x128xf32, #tpu.memory_space<vmem_shared>>)
      } else {
      }
      %add3A_267 = arith.constant 2 : i32
      %add3A_268 = arith.addi %add3A_249, %add3A_267 : i32
      %lt3A_269 = arith.constant 40 : i32
      %lt3A_270 = arith.cmpi slt, %add3A_268, %lt3A_269 : i32
      %convert_element_type3A_271 = arith.extui %lt3A_270 : i1 to i32
      %cond3A_272 = arith.constant 0 : i32
      %cond3A_273 = arith.cmpi ne, %convert_element_type3A_271, %cond3A_272 : i32
      scf.if %cond3A_273 {
        %add3A_275 = arith.constant 2 : i32
        %add3A_276 = arith.addi %add3A_249, %add3A_275 : i32
        %mul3A_277 = arith.constant 64 : i32
        %mul3A_278 = arith.muli %add3A_276, %mul3A_277 : i32
        %dma_start3A_279 = tpu.memref_slice %arg6[%mul3A_278] : memref<2576xi32, #tpu.memory_space<vmem>> -> memref<64xi32, #tpu.memory_space<vmem>>
        %dma_start3A_280 = arith.constant 0 : i32
        %dma_start3A_281 = arith.constant 0 : i32
        %dma_start3A_282 = tpu.memref_slice %arg2[%dma_start3A_280, %dma_start3A_281] : memref<10000x128xf32, #tpu.memory_space<hbm>> -> memref<10000x128xf32, #tpu.memory_space<hbm>>
        tpu.enqueue_indirect_dma source(%dma_start3A_282 : memref<10000x128xf32, #tpu.memory_space<hbm>>) target(%arg9 : memref<64x128xf32, #tpu.memory_space<vmem>>) offsets(%dma_start3A_279 : memref<64xi32, #tpu.memory_space<vmem>>) semaphore(%arg13 : memref<!tpu.dma_semaphore, #tpu.memory_space<semaphore_mem>>)
      } else {
      }
      %scan3A_274 = arith.constant 0 : i32
      scf.yield %scan3A_274 : i32
    }
    %scan3A_114 = arith.constant 10 : i32
    %dma_wait3A_115 = arith.constant 2432 : i32
    %dma_wait3A_116 = tpu.memref_slice %arg7[%dma_wait3A_115] : memref<2576xi32, #tpu.memory_space<vmem>> -> memref<64xi32, #tpu.memory_space<vmem>>
    %dma_wait3A_117 = arith.constant 0 : i32
    %dma_wait3A_118 = arith.constant 0 : i32
    %dma_wait3A_119 = tpu.memref_slice %arg20[%dma_wait3A_117, %dma_wait3A_118] : memref<10000x128xf32, #tpu.memory_space<vmem_shared>> -> memref<10000x128xf32, #tpu.memory_space<vmem_shared>>
    tpu.wait_indirect_dma semaphore(%arg18 : memref<!tpu.dma_semaphore, #tpu.memory_space<semaphore_mem>>) src(%arg10 : memref<64x128xf32, #tpu.memory_space<vmem>>) dst(%dma_wait3A_119 : memref<10000x128xf32, #tpu.memory_space<vmem_shared>>)
    %dma_wait3A_120 = arith.constant 2496 : i32
    %dma_wait3A_121 = tpu.memref_slice %arg7[%dma_wait3A_120] : memref<2576xi32, #tpu.memory_space<vmem>> -> memref<64xi32, #tpu.memory_space<vmem>>
    %dma_wait3A_122 = arith.constant 0 : i32
    %dma_wait3A_123 = arith.constant 0 : i32
    %dma_wait3A_124 = tpu.memref_slice %arg20[%dma_wait3A_122, %dma_wait3A_123] : memref<10000x128xf32, #tpu.memory_space<vmem_shared>> -> memref<10000x128xf32, #tpu.memory_space<vmem_shared>>
    tpu.wait_indirect_dma semaphore(%arg19 : memref<!tpu.dma_semaphore, #tpu.memory_space<semaphore_mem>>) src(%arg11 : memref<64x128xf32, #tpu.memory_space<vmem>>) dst(%dma_wait3A_124 : memref<10000x128xf32, #tpu.memory_space<vmem_shared>>)
    %add3A_125 = arith.constant 7680 : i32
    %add3A_126 = arith.addi %mul3A_2, %add3A_125 : i32
    "tpu.region"() ({
      %run_scoped3A = tpu.sem_alloc : memref<!tpu.dma_semaphore, #tpu.memory_space<semaphore_mem>>
      %dma_start3A_162 = arith.constant 0 : i32
      %dma_start3A_163 = tpu.memref_slice %arg6[%dma_start3A_162] : memref<2576xi32, #tpu.memory_space<vmem>> -> memref<2320xi32, #tpu.memory_space<vmem>>
      %dma_start3A_164 = tpu.memref_slice %arg3[%add3A_126] : memref<320000xi32, #tpu.memory_space<hbm>> -> memref<2320xi32, #tpu.memory_space<hbm>>
      %dma_start3A_165 = arith.constant 0 : i32
      %dma_start3A_166 = tpu.memref_slice %arg6[%dma_start3A_165] : memref<2576xi32, #tpu.memory_space<vmem>> -> memref<2320xi32, #tpu.memory_space<vmem>>
      %dma_start3A_167 = tpu.memref_slice %arg3[%add3A_126] : memref<320000xi32, #tpu.memory_space<hbm>> -> memref<2320xi32, #tpu.memory_space<hbm>>
      tpu.enqueue_dma source(%dma_start3A_167 : memref<2320xi32, #tpu.memory_space<hbm>>) target(%dma_start3A_166 : memref<2320xi32, #tpu.memory_space<vmem>>) target_semaphore(%run_scoped3A : memref<!tpu.dma_semaphore, #tpu.memory_space<semaphore_mem>>)
      %dma_wait3A_168 = arith.constant 0 : i32
      %dma_wait3A_169 = tpu.memref_slice %arg6[%dma_wait3A_168] : memref<2576xi32, #tpu.memory_space<vmem>> -> memref<2320xi32, #tpu.memory_space<vmem>>
      %dma_wait3A_170 = tpu.memref_slice %arg3[%add3A_126] : memref<320000xi32, #tpu.memory_space<hbm>> -> memref<2320xi32, #tpu.memory_space<hbm>>
      %dma_wait3A_171 = arith.constant 0 : i32
      %dma_wait3A_172 = tpu.memref_slice %arg6[%dma_wait3A_171] : memref<2576xi32, #tpu.memory_space<vmem>> -> memref<2320xi32, #tpu.memory_space<vmem>>
      %dma_wait3A_173 = tpu.memref_slice %arg3[%add3A_126] : memref<320000xi32, #tpu.memory_space<hbm>> -> memref<2320xi32, #tpu.memory_space<hbm>>
      tpu.wait_dma2 semaphore(%run_scoped3A : memref<!tpu.dma_semaphore, #tpu.memory_space<semaphore_mem>>) src(%dma_wait3A_173 : memref<2320xi32, #tpu.memory_space<hbm>>) dst(%dma_wait3A_172 : memref<2320xi32, #tpu.memory_space<vmem>>)
      tpu.yield
    }) : () -> ()
    %add3A_127 = arith.constant 7680 : i32
    %add3A_128 = arith.addi %mul3A_2, %add3A_127 : i32
    "tpu.region"() ({
      %run_scoped3A = tpu.sem_alloc : memref<!tpu.dma_semaphore, #tpu.memory_space<semaphore_mem>>
      %dma_start3A_162 = arith.constant 0 : i32
      %dma_start3A_163 = tpu.memref_slice %arg7[%dma_start3A_162] : memref<2576xi32, #tpu.memory_space<vmem>> -> memref<2320xi32, #tpu.memory_space<vmem>>
      %dma_start3A_164 = tpu.memref_slice %arg4[%add3A_128] : memref<320000xi32, #tpu.memory_space<hbm>> -> memref<2320xi32, #tpu.memory_space<hbm>>
      %dma_start3A_165 = arith.constant 0 : i32
      %dma_start3A_166 = tpu.memref_slice %arg7[%dma_start3A_165] : memref<2576xi32, #tpu.memory_space<vmem>> -> memref<2320xi32, #tpu.memory_space<vmem>>
      %dma_start3A_167 = tpu.memref_slice %arg4[%add3A_128] : memref<320000xi32, #tpu.memory_space<hbm>> -> memref<2320xi32, #tpu.memory_space<hbm>>
      tpu.enqueue_dma source(%dma_start3A_167 : memref<2320xi32, #tpu.memory_space<hbm>>) target(%dma_start3A_166 : memref<2320xi32, #tpu.memory_space<vmem>>) target_semaphore(%run_scoped3A : memref<!tpu.dma_semaphore, #tpu.memory_space<semaphore_mem>>)
      %dma_wait3A_168 = arith.constant 0 : i32
      %dma_wait3A_169 = tpu.memref_slice %arg7[%dma_wait3A_168] : memref<2576xi32, #tpu.memory_space<vmem>> -> memref<2320xi32, #tpu.memory_space<vmem>>
      %dma_wait3A_170 = tpu.memref_slice %arg4[%add3A_128] : memref<320000xi32, #tpu.memory_space<hbm>> -> memref<2320xi32, #tpu.memory_space<hbm>>
      %dma_wait3A_171 = arith.constant 0 : i32
      %dma_wait3A_172 = tpu.memref_slice %arg7[%dma_wait3A_171] : memref<2576xi32, #tpu.memory_space<vmem>> -> memref<2320xi32, #tpu.memory_space<vmem>>
      %dma_wait3A_173 = tpu.memref_slice %arg4[%add3A_128] : memref<320000xi32, #tpu.memory_space<hbm>> -> memref<2320xi32, #tpu.memory_space<hbm>>
      tpu.wait_dma2 semaphore(%run_scoped3A : memref<!tpu.dma_semaphore, #tpu.memory_space<semaphore_mem>>) src(%dma_wait3A_173 : memref<2320xi32, #tpu.memory_space<hbm>>) dst(%dma_wait3A_172 : memref<2320xi32, #tpu.memory_space<vmem>>)
      tpu.yield
    }) : () -> ()
    %dma_start3A_129 = arith.constant 0 : i32
    %dma_start3A_130 = tpu.memref_slice %arg6[%dma_start3A_129] : memref<2576xi32, #tpu.memory_space<vmem>> -> memref<64xi32, #tpu.memory_space<vmem>>
    %dma_start3A_131 = arith.constant 0 : i32
    %dma_start3A_132 = arith.constant 0 : i32
    %dma_start3A_133 = tpu.memref_slice %arg2[%dma_start3A_131, %dma_start3A_132] : memref<10000x128xf32, #tpu.memory_space<hbm>> -> memref<10000x128xf32, #tpu.memory_space<hbm>>
    tpu.enqueue_indirect_dma source(%dma_start3A_133 : memref<10000x128xf32, #tpu.memory_space<hbm>>) target(%arg8 : memref<64x128xf32, #tpu.memory_space<vmem>>) offsets(%dma_start3A_130 : memref<64xi32, #tpu.memory_space<vmem>>) semaphore(%arg12 : memref<!tpu.dma_semaphore, #tpu.memory_space<semaphore_mem>>)
    %dma_start3A_134 = arith.constant 64 : i32
    %dma_start3A_135 = tpu.memref_slice %arg6[%dma_start3A_134] : memref<2576xi32, #tpu.memory_space<vmem>> -> memref<64xi32, #tpu.memory_space<vmem>>
    %dma_start3A_136 = arith.constant 0 : i32
    %dma_start3A_137 = arith.constant 0 : i32
    %dma_start3A_138 = tpu.memref_slice %arg2[%dma_start3A_136, %dma_start3A_137] : memref<10000x128xf32, #tpu.memory_space<hbm>> -> memref<10000x128xf32, #tpu.memory_space<hbm>>
    tpu.enqueue_indirect_dma source(%dma_start3A_138 : memref<10000x128xf32, #tpu.memory_space<hbm>>) target(%arg9 : memref<64x128xf32, #tpu.memory_space<vmem>>) offsets(%dma_start3A_135 : memref<64xi32, #tpu.memory_space<vmem>>) semaphore(%arg13 : memref<!tpu.dma_semaphore, #tpu.memory_space<semaphore_mem>>)
    %scan3A_139 = arith.constant 0 : i32
    %scan3A_140 = arith.constant 0 : i32
    %scan3A_141 = arith.constant 9 : i32
    %scan3A_142 = arith.addi %scan3A_140, %scan3A_141 : i32
    %scan3A_143 = arith.constant 1 : i32
    %scan3A_144 = scf.for %scan3A_162 = %scan3A_140 to %scan3A_142 step %scan3A_143 iter_args(%scan3A_163 = %scan3A_139) -> (i32)  : i32 {
      %mul3A_164 = arith.constant 4 : i32
      %mul3A_165 = arith.muli %scan3A_162, %mul3A_164 : i32
      %add3A_166 = arith.constant 0 : i32
      %add3A_167 = arith.addi %mul3A_165, %add3A_166 : i32
      %mul3A_168 = arith.constant 64 : i32
      %mul3A_169 = arith.muli %add3A_167, %mul3A_168 : i32
      %dma_wait3A_170 = tpu.memref_slice %arg6[%mul3A_169] : memref<2576xi32, #tpu.memory_space<vmem>> -> memref<64xi32, #tpu.memory_space<vmem>>
      %dma_wait3A_171 = arith.constant 0 : i32
      %dma_wait3A_172 = arith.constant 0 : i32
      %dma_wait3A_173 = tpu.memref_slice %arg2[%dma_wait3A_171, %dma_wait3A_172] : memref<10000x128xf32, #tpu.memory_space<hbm>> -> memref<10000x128xf32, #tpu.memory_space<hbm>>
      tpu.wait_indirect_dma semaphore(%arg12 : memref<!tpu.dma_semaphore, #tpu.memory_space<semaphore_mem>>) src(%dma_wait3A_173 : memref<10000x128xf32, #tpu.memory_space<hbm>>) dst(%arg8 : memref<64x128xf32, #tpu.memory_space<vmem>>)
      %mul3A_174 = arith.constant 64 : i32
      %mul3A_175 = arith.muli %add3A_167, %mul3A_174 : i32
      %dma_start3A_176 = tpu.memref_slice %arg7[%mul3A_175] : memref<2576xi32, #tpu.memory_space<vmem>> -> memref<64xi32, #tpu.memory_space<vmem>>
      %dma_start3A_177 = arith.constant 0 : i32
      %dma_start3A_178 = arith.constant 0 : i32
      %dma_start3A_179 = tpu.memref_slice %arg20[%dma_start3A_177, %dma_start3A_178] : memref<10000x128xf32, #tpu.memory_space<vmem_shared>> -> memref<10000x128xf32, #tpu.memory_space<vmem_shared>>
      tpu.enqueue_indirect_dma source(%arg8 : memref<64x128xf32, #tpu.memory_space<vmem>>) target(%dma_start3A_179 : memref<10000x128xf32, #tpu.memory_space<vmem_shared>>) offsets(%dma_start3A_176 : memref<64xi32, #tpu.memory_space<vmem>>) semaphore(%arg16 : memref<!tpu.dma_semaphore, #tpu.memory_space<semaphore_mem>>) {add = true}
      %ge3A = arith.constant 2 : i32
      %ge3A_180 = arith.cmpi sge, %add3A_167, %ge3A : i32
      %convert_element_type3A_181 = arith.extui %ge3A_180 : i1 to i32
      %cond3A_182 = arith.constant 0 : i32
      %cond3A_183 = arith.cmpi ne, %convert_element_type3A_181, %cond3A_182 : i32
      scf.if %cond3A_183 {
        %sub3A = arith.constant 2 : i32
        %sub3A_275 = arith.subi %add3A_167, %sub3A : i32
        %mul3A_276 = arith.constant 64 : i32
        %mul3A_277 = arith.muli %sub3A_275, %mul3A_276 : i32
        %dma_wait3A_278 = tpu.memref_slice %arg7[%mul3A_277] : memref<2576xi32, #tpu.memory_space<vmem>> -> memref<64xi32, #tpu.memory_space<vmem>>
        %dma_wait3A_279 = arith.constant 0 : i32
        %dma_wait3A_280 = arith.constant 0 : i32
        %dma_wait3A_281 = tpu.memref_slice %arg20[%dma_wait3A_279, %dma_wait3A_280] : memref<10000x128xf32, #tpu.memory_space<vmem_shared>> -> memref<10000x128xf32, #tpu.memory_space<vmem_shared>>
        tpu.wait_indirect_dma semaphore(%arg18 : memref<!tpu.dma_semaphore, #tpu.memory_space<semaphore_mem>>) src(%arg10 : memref<64x128xf32, #tpu.memory_space<vmem>>) dst(%dma_wait3A_281 : memref<10000x128xf32, #tpu.memory_space<vmem_shared>>)
      } else {
      }
      %add3A_184 = arith.constant 2 : i32
      %add3A_185 = arith.addi %add3A_167, %add3A_184 : i32
      %lt3A = arith.constant 36 : i32
      %lt3A_186 = arith.cmpi slt, %add3A_185, %lt3A : i32
      %convert_element_type3A_187 = arith.extui %lt3A_186 : i1 to i32
      %cond3A_188 = arith.constant 0 : i32
      %cond3A_189 = arith.cmpi ne, %convert_element_type3A_187, %cond3A_188 : i32
      scf.if %cond3A_189 {
        %add3A_275 = arith.constant 2 : i32
        %add3A_276 = arith.addi %add3A_167, %add3A_275 : i32
        %mul3A_277 = arith.constant 64 : i32
        %mul3A_278 = arith.muli %add3A_276, %mul3A_277 : i32
        %dma_start3A_279 = tpu.memref_slice %arg6[%mul3A_278] : memref<2576xi32, #tpu.memory_space<vmem>> -> memref<64xi32, #tpu.memory_space<vmem>>
        %dma_start3A_280 = arith.constant 0 : i32
        %dma_start3A_281 = arith.constant 0 : i32
        %dma_start3A_282 = tpu.memref_slice %arg2[%dma_start3A_280, %dma_start3A_281] : memref<10000x128xf32, #tpu.memory_space<hbm>> -> memref<10000x128xf32, #tpu.memory_space<hbm>>
        tpu.enqueue_indirect_dma source(%dma_start3A_282 : memref<10000x128xf32, #tpu.memory_space<hbm>>) target(%arg10 : memref<64x128xf32, #tpu.memory_space<vmem>>) offsets(%dma_start3A_279 : memref<64xi32, #tpu.memory_space<vmem>>) semaphore(%arg14 : memref<!tpu.dma_semaphore, #tpu.memory_space<semaphore_mem>>)
      } else {
      }
      %mul3A_190 = arith.constant 4 : i32
      %mul3A_191 = arith.muli %scan3A_162, %mul3A_190 : i32
      %add3A_192 = arith.constant 1 : i32
      %add3A_193 = arith.addi %mul3A_191, %add3A_192 : i32
      %mul3A_194 = arith.constant 64 : i32
      %mul3A_195 = arith.muli %add3A_193, %mul3A_194 : i32
      %dma_wait3A_196 = tpu.memref_slice %arg6[%mul3A_195] : memref<2576xi32, #tpu.memory_space<vmem>> -> memref<64xi32, #tpu.memory_space<vmem>>
      %dma_wait3A_197 = arith.constant 0 : i32
      %dma_wait3A_198 = arith.constant 0 : i32
      %dma_wait3A_199 = tpu.memref_slice %arg2[%dma_wait3A_197, %dma_wait3A_198] : memref<10000x128xf32, #tpu.memory_space<hbm>> -> memref<10000x128xf32, #tpu.memory_space<hbm>>
      tpu.wait_indirect_dma semaphore(%arg13 : memref<!tpu.dma_semaphore, #tpu.memory_space<semaphore_mem>>) src(%dma_wait3A_199 : memref<10000x128xf32, #tpu.memory_space<hbm>>) dst(%arg9 : memref<64x128xf32, #tpu.memory_space<vmem>>)
      %mul3A_200 = arith.constant 64 : i32
      %mul3A_201 = arith.muli %add3A_193, %mul3A_200 : i32
      %dma_start3A_202 = tpu.memref_slice %arg7[%mul3A_201] : memref<2576xi32, #tpu.memory_space<vmem>> -> memref<64xi32, #tpu.memory_space<vmem>>
      %dma_start3A_203 = arith.constant 0 : i32
      %dma_start3A_204 = arith.constant 0 : i32
      %dma_start3A_205 = tpu.memref_slice %arg20[%dma_start3A_203, %dma_start3A_204] : memref<10000x128xf32, #tpu.memory_space<vmem_shared>> -> memref<10000x128xf32, #tpu.memory_space<vmem_shared>>
      tpu.enqueue_indirect_dma source(%arg9 : memref<64x128xf32, #tpu.memory_space<vmem>>) target(%dma_start3A_205 : memref<10000x128xf32, #tpu.memory_space<vmem_shared>>) offsets(%dma_start3A_202 : memref<64xi32, #tpu.memory_space<vmem>>) semaphore(%arg17 : memref<!tpu.dma_semaphore, #tpu.memory_space<semaphore_mem>>) {add = true}
      %ge3A_206 = arith.constant 2 : i32
      %ge3A_207 = arith.cmpi sge, %add3A_193, %ge3A_206 : i32
      %convert_element_type3A_208 = arith.extui %ge3A_207 : i1 to i32
      %cond3A_209 = arith.constant 0 : i32
      %cond3A_210 = arith.cmpi ne, %convert_element_type3A_208, %cond3A_209 : i32
      scf.if %cond3A_210 {
        %sub3A = arith.constant 2 : i32
        %sub3A_275 = arith.subi %add3A_193, %sub3A : i32
        %mul3A_276 = arith.constant 64 : i32
        %mul3A_277 = arith.muli %sub3A_275, %mul3A_276 : i32
        %dma_wait3A_278 = tpu.memref_slice %arg7[%mul3A_277] : memref<2576xi32, #tpu.memory_space<vmem>> -> memref<64xi32, #tpu.memory_space<vmem>>
        %dma_wait3A_279 = arith.constant 0 : i32
        %dma_wait3A_280 = arith.constant 0 : i32
        %dma_wait3A_281 = tpu.memref_slice %arg20[%dma_wait3A_279, %dma_wait3A_280] : memref<10000x128xf32, #tpu.memory_space<vmem_shared>> -> memref<10000x128xf32, #tpu.memory_space<vmem_shared>>
        tpu.wait_indirect_dma semaphore(%arg19 : memref<!tpu.dma_semaphore, #tpu.memory_space<semaphore_mem>>) src(%arg11 : memref<64x128xf32, #tpu.memory_space<vmem>>) dst(%dma_wait3A_281 : memref<10000x128xf32, #tpu.memory_space<vmem_shared>>)
      } else {
      }
      %add3A_211 = arith.constant 2 : i32
      %add3A_212 = arith.addi %add3A_193, %add3A_211 : i32
      %lt3A_213 = arith.constant 36 : i32
      %lt3A_214 = arith.cmpi slt, %add3A_212, %lt3A_213 : i32
      %convert_element_type3A_215 = arith.extui %lt3A_214 : i1 to i32
      %cond3A_216 = arith.constant 0 : i32
      %cond3A_217 = arith.cmpi ne, %convert_element_type3A_215, %cond3A_216 : i32
      scf.if %cond3A_217 {
        %add3A_275 = arith.constant 2 : i32
        %add3A_276 = arith.addi %add3A_193, %add3A_275 : i32
        %mul3A_277 = arith.constant 64 : i32
        %mul3A_278 = arith.muli %add3A_276, %mul3A_277 : i32
        %dma_start3A_279 = tpu.memref_slice %arg6[%mul3A_278] : memref<2576xi32, #tpu.memory_space<vmem>> -> memref<64xi32, #tpu.memory_space<vmem>>
        %dma_start3A_280 = arith.constant 0 : i32
        %dma_start3A_281 = arith.constant 0 : i32
        %dma_start3A_282 = tpu.memref_slice %arg2[%dma_start3A_280, %dma_start3A_281] : memref<10000x128xf32, #tpu.memory_space<hbm>> -> memref<10000x128xf32, #tpu.memory_space<hbm>>
        tpu.enqueue_indirect_dma source(%dma_start3A_282 : memref<10000x128xf32, #tpu.memory_space<hbm>>) target(%arg11 : memref<64x128xf32, #tpu.memory_space<vmem>>) offsets(%dma_start3A_279 : memref<64xi32, #tpu.memory_space<vmem>>) semaphore(%arg15 : memref<!tpu.dma_semaphore, #tpu.memory_space<semaphore_mem>>)
      } else {
      }
      %mul3A_218 = arith.constant 4 : i32
      %mul3A_219 = arith.muli %scan3A_162, %mul3A_218 : i32
      %add3A_220 = arith.constant 2 : i32
      %add3A_221 = arith.addi %mul3A_219, %add3A_220 : i32
      %mul3A_222 = arith.constant 64 : i32
      %mul3A_223 = arith.muli %add3A_221, %mul3A_222 : i32
      %dma_wait3A_224 = tpu.memref_slice %arg6[%mul3A_223] : memref<2576xi32, #tpu.memory_space<vmem>> -> memref<64xi32, #tpu.memory_space<vmem>>
      %dma_wait3A_225 = arith.constant 0 : i32
      %dma_wait3A_226 = arith.constant 0 : i32
      %dma_wait3A_227 = tpu.memref_slice %arg2[%dma_wait3A_225, %dma_wait3A_226] : memref<10000x128xf32, #tpu.memory_space<hbm>> -> memref<10000x128xf32, #tpu.memory_space<hbm>>
      tpu.wait_indirect_dma semaphore(%arg14 : memref<!tpu.dma_semaphore, #tpu.memory_space<semaphore_mem>>) src(%dma_wait3A_227 : memref<10000x128xf32, #tpu.memory_space<hbm>>) dst(%arg10 : memref<64x128xf32, #tpu.memory_space<vmem>>)
      %mul3A_228 = arith.constant 64 : i32
      %mul3A_229 = arith.muli %add3A_221, %mul3A_228 : i32
      %dma_start3A_230 = tpu.memref_slice %arg7[%mul3A_229] : memref<2576xi32, #tpu.memory_space<vmem>> -> memref<64xi32, #tpu.memory_space<vmem>>
      %dma_start3A_231 = arith.constant 0 : i32
      %dma_start3A_232 = arith.constant 0 : i32
      %dma_start3A_233 = tpu.memref_slice %arg20[%dma_start3A_231, %dma_start3A_232] : memref<10000x128xf32, #tpu.memory_space<vmem_shared>> -> memref<10000x128xf32, #tpu.memory_space<vmem_shared>>
      tpu.enqueue_indirect_dma source(%arg10 : memref<64x128xf32, #tpu.memory_space<vmem>>) target(%dma_start3A_233 : memref<10000x128xf32, #tpu.memory_space<vmem_shared>>) offsets(%dma_start3A_230 : memref<64xi32, #tpu.memory_space<vmem>>) semaphore(%arg18 : memref<!tpu.dma_semaphore, #tpu.memory_space<semaphore_mem>>) {add = true}
      %ge3A_234 = arith.constant 2 : i32
      %ge3A_235 = arith.cmpi sge, %add3A_221, %ge3A_234 : i32
      %convert_element_type3A_236 = arith.extui %ge3A_235 : i1 to i32
      %cond3A_237 = arith.constant 0 : i32
      %cond3A_238 = arith.cmpi ne, %convert_element_type3A_236, %cond3A_237 : i32
      scf.if %cond3A_238 {
        %sub3A = arith.constant 2 : i32
        %sub3A_275 = arith.subi %add3A_221, %sub3A : i32
        %mul3A_276 = arith.constant 64 : i32
        %mul3A_277 = arith.muli %sub3A_275, %mul3A_276 : i32
        %dma_wait3A_278 = tpu.memref_slice %arg7[%mul3A_277] : memref<2576xi32, #tpu.memory_space<vmem>> -> memref<64xi32, #tpu.memory_space<vmem>>
        %dma_wait3A_279 = arith.constant 0 : i32
        %dma_wait3A_280 = arith.constant 0 : i32
        %dma_wait3A_281 = tpu.memref_slice %arg20[%dma_wait3A_279, %dma_wait3A_280] : memref<10000x128xf32, #tpu.memory_space<vmem_shared>> -> memref<10000x128xf32, #tpu.memory_space<vmem_shared>>
        tpu.wait_indirect_dma semaphore(%arg16 : memref<!tpu.dma_semaphore, #tpu.memory_space<semaphore_mem>>) src(%arg8 : memref<64x128xf32, #tpu.memory_space<vmem>>) dst(%dma_wait3A_281 : memref<10000x128xf32, #tpu.memory_space<vmem_shared>>)
      } else {
      }
      %add3A_239 = arith.constant 2 : i32
      %add3A_240 = arith.addi %add3A_221, %add3A_239 : i32
      %lt3A_241 = arith.constant 36 : i32
      %lt3A_242 = arith.cmpi slt, %add3A_240, %lt3A_241 : i32
      %convert_element_type3A_243 = arith.extui %lt3A_242 : i1 to i32
      %cond3A_244 = arith.constant 0 : i32
      %cond3A_245 = arith.cmpi ne, %convert_element_type3A_243, %cond3A_244 : i32
      scf.if %cond3A_245 {
        %add3A_275 = arith.constant 2 : i32
        %add3A_276 = arith.addi %add3A_221, %add3A_275 : i32
        %mul3A_277 = arith.constant 64 : i32
        %mul3A_278 = arith.muli %add3A_276, %mul3A_277 : i32
        %dma_start3A_279 = tpu.memref_slice %arg6[%mul3A_278] : memref<2576xi32, #tpu.memory_space<vmem>> -> memref<64xi32, #tpu.memory_space<vmem>>
        %dma_start3A_280 = arith.constant 0 : i32
        %dma_start3A_281 = arith.constant 0 : i32
        %dma_start3A_282 = tpu.memref_slice %arg2[%dma_start3A_280, %dma_start3A_281] : memref<10000x128xf32, #tpu.memory_space<hbm>> -> memref<10000x128xf32, #tpu.memory_space<hbm>>
        tpu.enqueue_indirect_dma source(%dma_start3A_282 : memref<10000x128xf32, #tpu.memory_space<hbm>>) target(%arg8 : memref<64x128xf32, #tpu.memory_space<vmem>>) offsets(%dma_start3A_279 : memref<64xi32, #tpu.memory_space<vmem>>) semaphore(%arg12 : memref<!tpu.dma_semaphore, #tpu.memory_space<semaphore_mem>>)
      } else {
      }
      %mul3A_246 = arith.constant 4 : i32
      %mul3A_247 = arith.muli %scan3A_162, %mul3A_246 : i32
      %add3A_248 = arith.constant 3 : i32
      %add3A_249 = arith.addi %mul3A_247, %add3A_248 : i32
      %mul3A_250 = arith.constant 64 : i32
      %mul3A_251 = arith.muli %add3A_249, %mul3A_250 : i32
      %dma_wait3A_252 = tpu.memref_slice %arg6[%mul3A_251] : memref<2576xi32, #tpu.memory_space<vmem>> -> memref<64xi32, #tpu.memory_space<vmem>>
      %dma_wait3A_253 = arith.constant 0 : i32
      %dma_wait3A_254 = arith.constant 0 : i32
      %dma_wait3A_255 = tpu.memref_slice %arg2[%dma_wait3A_253, %dma_wait3A_254] : memref<10000x128xf32, #tpu.memory_space<hbm>> -> memref<10000x128xf32, #tpu.memory_space<hbm>>
      tpu.wait_indirect_dma semaphore(%arg15 : memref<!tpu.dma_semaphore, #tpu.memory_space<semaphore_mem>>) src(%dma_wait3A_255 : memref<10000x128xf32, #tpu.memory_space<hbm>>) dst(%arg11 : memref<64x128xf32, #tpu.memory_space<vmem>>)
      %mul3A_256 = arith.constant 64 : i32
      %mul3A_257 = arith.muli %add3A_249, %mul3A_256 : i32
      %dma_start3A_258 = tpu.memref_slice %arg7[%mul3A_257] : memref<2576xi32, #tpu.memory_space<vmem>> -> memref<64xi32, #tpu.memory_space<vmem>>
      %dma_start3A_259 = arith.constant 0 : i32
      %dma_start3A_260 = arith.constant 0 : i32
      %dma_start3A_261 = tpu.memref_slice %arg20[%dma_start3A_259, %dma_start3A_260] : memref<10000x128xf32, #tpu.memory_space<vmem_shared>> -> memref<10000x128xf32, #tpu.memory_space<vmem_shared>>
      tpu.enqueue_indirect_dma source(%arg11 : memref<64x128xf32, #tpu.memory_space<vmem>>) target(%dma_start3A_261 : memref<10000x128xf32, #tpu.memory_space<vmem_shared>>) offsets(%dma_start3A_258 : memref<64xi32, #tpu.memory_space<vmem>>) semaphore(%arg19 : memref<!tpu.dma_semaphore, #tpu.memory_space<semaphore_mem>>) {add = true}
      %ge3A_262 = arith.constant 2 : i32
      %ge3A_263 = arith.cmpi sge, %add3A_249, %ge3A_262 : i32
      %convert_element_type3A_264 = arith.extui %ge3A_263 : i1 to i32
      %cond3A_265 = arith.constant 0 : i32
      %cond3A_266 = arith.cmpi ne, %convert_element_type3A_264, %cond3A_265 : i32
      scf.if %cond3A_266 {
        %sub3A = arith.constant 2 : i32
        %sub3A_275 = arith.subi %add3A_249, %sub3A : i32
        %mul3A_276 = arith.constant 64 : i32
        %mul3A_277 = arith.muli %sub3A_275, %mul3A_276 : i32
        %dma_wait3A_278 = tpu.memref_slice %arg7[%mul3A_277] : memref<2576xi32, #tpu.memory_space<vmem>> -> memref<64xi32, #tpu.memory_space<vmem>>
        %dma_wait3A_279 = arith.constant 0 : i32
        %dma_wait3A_280 = arith.constant 0 : i32
        %dma_wait3A_281 = tpu.memref_slice %arg20[%dma_wait3A_279, %dma_wait3A_280] : memref<10000x128xf32, #tpu.memory_space<vmem_shared>> -> memref<10000x128xf32, #tpu.memory_space<vmem_shared>>
        tpu.wait_indirect_dma semaphore(%arg17 : memref<!tpu.dma_semaphore, #tpu.memory_space<semaphore_mem>>) src(%arg9 : memref<64x128xf32, #tpu.memory_space<vmem>>) dst(%dma_wait3A_281 : memref<10000x128xf32, #tpu.memory_space<vmem_shared>>)
      } else {
      }
      %add3A_267 = arith.constant 2 : i32
      %add3A_268 = arith.addi %add3A_249, %add3A_267 : i32
      %lt3A_269 = arith.constant 36 : i32
      %lt3A_270 = arith.cmpi slt, %add3A_268, %lt3A_269 : i32
      %convert_element_type3A_271 = arith.extui %lt3A_270 : i1 to i32
      %cond3A_272 = arith.constant 0 : i32
      %cond3A_273 = arith.cmpi ne, %convert_element_type3A_271, %cond3A_272 : i32
      scf.if %cond3A_273 {
        %add3A_275 = arith.constant 2 : i32
        %add3A_276 = arith.addi %add3A_249, %add3A_275 : i32
        %mul3A_277 = arith.constant 64 : i32
        %mul3A_278 = arith.muli %add3A_276, %mul3A_277 : i32
        %dma_start3A_279 = tpu.memref_slice %arg6[%mul3A_278] : memref<2576xi32, #tpu.memory_space<vmem>> -> memref<64xi32, #tpu.memory_space<vmem>>
        %dma_start3A_280 = arith.constant 0 : i32
        %dma_start3A_281 = arith.constant 0 : i32
        %dma_start3A_282 = tpu.memref_slice %arg2[%dma_start3A_280, %dma_start3A_281] : memref<10000x128xf32, #tpu.memory_space<hbm>> -> memref<10000x128xf32, #tpu.memory_space<hbm>>
        tpu.enqueue_indirect_dma source(%dma_start3A_282 : memref<10000x128xf32, #tpu.memory_space<hbm>>) target(%arg9 : memref<64x128xf32, #tpu.memory_space<vmem>>) offsets(%dma_start3A_279 : memref<64xi32, #tpu.memory_space<vmem>>) semaphore(%arg13 : memref<!tpu.dma_semaphore, #tpu.memory_space<semaphore_mem>>)
      } else {
      }
      %scan3A_274 = arith.constant 0 : i32
      scf.yield %scan3A_274 : i32
    }
    %scan3A_145 = arith.constant 9 : i32
    %dma_wait3A_146 = arith.constant 2176 : i32
    %dma_wait3A_147 = tpu.memref_slice %arg7[%dma_wait3A_146] : memref<2576xi32, #tpu.memory_space<vmem>> -> memref<64xi32, #tpu.memory_space<vmem>>
    %dma_wait3A_148 = arith.constant 0 : i32
    %dma_wait3A_149 = arith.constant 0 : i32
    %dma_wait3A_150 = tpu.memref_slice %arg20[%dma_wait3A_148, %dma_wait3A_149] : memref<10000x128xf32, #tpu.memory_space<vmem_shared>> -> memref<10000x128xf32, #tpu.memory_space<vmem_shared>>
    tpu.wait_indirect_dma semaphore(%arg18 : memref<!tpu.dma_semaphore, #tpu.memory_space<semaphore_mem>>) src(%arg10 : memref<64x128xf32, #tpu.memory_space<vmem>>) dst(%dma_wait3A_150 : memref<10000x128xf32, #tpu.memory_space<vmem_shared>>)
    %dma_wait3A_151 = arith.constant 2240 : i32
    %dma_wait3A_152 = tpu.memref_slice %arg7[%dma_wait3A_151] : memref<2576xi32, #tpu.memory_space<vmem>> -> memref<64xi32, #tpu.memory_space<vmem>>
    %dma_wait3A_153 = arith.constant 0 : i32
    %dma_wait3A_154 = arith.constant 0 : i32
    %dma_wait3A_155 = tpu.memref_slice %arg20[%dma_wait3A_153, %dma_wait3A_154] : memref<10000x128xf32, #tpu.memory_space<vmem_shared>> -> memref<10000x128xf32, #tpu.memory_space<vmem_shared>>
    tpu.wait_indirect_dma semaphore(%arg19 : memref<!tpu.dma_semaphore, #tpu.memory_space<semaphore_mem>>) src(%arg11 : memref<64x128xf32, #tpu.memory_space<vmem>>) dst(%dma_wait3A_155 : memref<10000x128xf32, #tpu.memory_space<vmem_shared>>)
    "tpu.region"() ({
      %run_scoped3A = tpu.sem_alloc : memref<!tpu.dma_semaphore, #tpu.memory_space<semaphore_mem>>
      %dma_start3A_162 = arith.constant 0 : i32
      %dma_start3A_163 = arith.constant 0 : i32
      %dma_start3A_164 = tpu.memref_slice %arg8[%dma_start3A_162, %dma_start3A_163] : memref<64x128xf32, #tpu.memory_space<vmem>> -> memref<16x128xf32, #tpu.memory_space<vmem>>
      %dma_start3A_165 = arith.constant 2304 : i32
      %dma_start3A_166 = tpu.memref_slice %arg6[%dma_start3A_165] : memref<2576xi32, #tpu.memory_space<vmem>> -> memref<16xi32, #tpu.memory_space<vmem>>
      %dma_start3A_167 = arith.constant 0 : i32
      %dma_start3A_168 = arith.constant 0 : i32
      %dma_start3A_169 = tpu.memref_slice %arg2[%dma_start3A_167, %dma_start3A_168] : memref<10000x128xf32, #tpu.memory_space<hbm>> -> memref<10000x128xf32, #tpu.memory_space<hbm>>
      tpu.enqueue_indirect_dma source(%dma_start3A_169 : memref<10000x128xf32, #tpu.memory_space<hbm>>) target(%dma_start3A_164 : memref<16x128xf32, #tpu.memory_space<vmem>>) offsets(%dma_start3A_166 : memref<16xi32, #tpu.memory_space<vmem>>) semaphore(%run_scoped3A : memref<!tpu.dma_semaphore, #tpu.memory_space<semaphore_mem>>)
      %dma_wait3A_170 = arith.constant 0 : i32
      %dma_wait3A_171 = arith.constant 0 : i32
      %dma_wait3A_172 = tpu.memref_slice %arg8[%dma_wait3A_170, %dma_wait3A_171] : memref<64x128xf32, #tpu.memory_space<vmem>> -> memref<16x128xf32, #tpu.memory_space<vmem>>
      %dma_wait3A_173 = arith.constant 2304 : i32
      %dma_wait3A_174 = tpu.memref_slice %arg6[%dma_wait3A_173] : memref<2576xi32, #tpu.memory_space<vmem>> -> memref<16xi32, #tpu.memory_space<vmem>>
      %dma_wait3A_175 = arith.constant 0 : i32
      %dma_wait3A_176 = arith.constant 0 : i32
      %dma_wait3A_177 = tpu.memref_slice %arg2[%dma_wait3A_175, %dma_wait3A_176] : memref<10000x128xf32, #tpu.memory_space<hbm>> -> memref<10000x128xf32, #tpu.memory_space<hbm>>
      tpu.wait_indirect_dma semaphore(%run_scoped3A : memref<!tpu.dma_semaphore, #tpu.memory_space<semaphore_mem>>) src(%dma_wait3A_177 : memref<10000x128xf32, #tpu.memory_space<hbm>>) dst(%dma_wait3A_172 : memref<16x128xf32, #tpu.memory_space<vmem>>)
      tpu.yield
    }) : () -> ()
    "tpu.region"() ({
      %run_scoped3A = tpu.sem_alloc : memref<!tpu.dma_semaphore, #tpu.memory_space<semaphore_mem>>
      %dma_start3A_162 = arith.constant 0 : i32
      %dma_start3A_163 = arith.constant 0 : i32
      %dma_start3A_164 = tpu.memref_slice %arg8[%dma_start3A_162, %dma_start3A_163] : memref<64x128xf32, #tpu.memory_space<vmem>> -> memref<16x128xf32, #tpu.memory_space<vmem>>
      %dma_start3A_165 = arith.constant 2304 : i32
      %dma_start3A_166 = tpu.memref_slice %arg7[%dma_start3A_165] : memref<2576xi32, #tpu.memory_space<vmem>> -> memref<16xi32, #tpu.memory_space<vmem>>
      %dma_start3A_167 = arith.constant 0 : i32
      %dma_start3A_168 = arith.constant 0 : i32
      %dma_start3A_169 = tpu.memref_slice %arg20[%dma_start3A_167, %dma_start3A_168] : memref<10000x128xf32, #tpu.memory_space<vmem_shared>> -> memref<10000x128xf32, #tpu.memory_space<vmem_shared>>
      tpu.enqueue_indirect_dma source(%dma_start3A_164 : memref<16x128xf32, #tpu.memory_space<vmem>>) target(%dma_start3A_169 : memref<10000x128xf32, #tpu.memory_space<vmem_shared>>) offsets(%dma_start3A_166 : memref<16xi32, #tpu.memory_space<vmem>>) semaphore(%run_scoped3A : memref<!tpu.dma_semaphore, #tpu.memory_space<semaphore_mem>>) {add = true}
      %dma_wait3A_170 = arith.constant 0 : i32
      %dma_wait3A_171 = arith.constant 0 : i32
      %dma_wait3A_172 = tpu.memref_slice %arg8[%dma_wait3A_170, %dma_wait3A_171] : memref<64x128xf32, #tpu.memory_space<vmem>> -> memref<16x128xf32, #tpu.memory_space<vmem>>
      %dma_wait3A_173 = arith.constant 2304 : i32
      %dma_wait3A_174 = tpu.memref_slice %arg7[%dma_wait3A_173] : memref<2576xi32, #tpu.memory_space<vmem>> -> memref<16xi32, #tpu.memory_space<vmem>>
      %dma_wait3A_175 = arith.constant 0 : i32
      %dma_wait3A_176 = arith.constant 0 : i32
      %dma_wait3A_177 = tpu.memref_slice %arg20[%dma_wait3A_175, %dma_wait3A_176] : memref<10000x128xf32, #tpu.memory_space<vmem_shared>> -> memref<10000x128xf32, #tpu.memory_space<vmem_shared>>
      tpu.wait_indirect_dma semaphore(%run_scoped3A : memref<!tpu.dma_semaphore, #tpu.memory_space<semaphore_mem>>) src(%dma_wait3A_172 : memref<16x128xf32, #tpu.memory_space<vmem>>) dst(%dma_wait3A_177 : memref<10000x128xf32, #tpu.memory_space<vmem_shared>>)
      tpu.yield
    }) : () -> ()
    %barrier3A_156 = arith.constant 0 : index
    tpu.barrier barrier_id(%barrier3A_156)
    "tpu.region"() ({
      %run_scoped3A = tpu.sem_alloc : memref<!tpu.dma_semaphore, #tpu.memory_space<semaphore_mem>>
      %dma_start3A_162 = arith.constant 0 : i32
      %dma_start3A_163 = tpu.memref_slice %arg5[%arg0, %mul3A_11, %dma_start3A_162] : memref<2x10000x128xf32, #tpu.memory_space<hbm>> -> memref<1x624x128xf32, #tpu.memory_space<hbm>>
      %dma_start3A_164 = tpu.memref_squeeze %dma_start3A_163 : memref<1x624x128xf32, #tpu.memory_space<hbm>> -> memref<624x128xf32, #tpu.memory_space<hbm>>
      %dma_start3A_165 = arith.constant 0 : i32
      %dma_start3A_166 = tpu.memref_slice %arg20[%mul3A_11, %dma_start3A_165] : memref<10000x128xf32, #tpu.memory_space<vmem_shared>> -> memref<624x128xf32, #tpu.memory_space<vmem_shared>>
      tpu.enqueue_dma source(%dma_start3A_166 : memref<624x128xf32, #tpu.memory_space<vmem_shared>>) target(%dma_start3A_164 : memref<624x128xf32, #tpu.memory_space<hbm>>) target_semaphore(%run_scoped3A : memref<!tpu.dma_semaphore, #tpu.memory_space<semaphore_mem>>)
      %dma_wait3A_167 = arith.constant 0 : i32
      %dma_wait3A_168 = tpu.memref_slice %arg5[%arg0, %mul3A_11, %dma_wait3A_167] : memref<2x10000x128xf32, #tpu.memory_space<hbm>> -> memref<1x624x128xf32, #tpu.memory_space<hbm>>
      %dma_wait3A_169 = tpu.memref_squeeze %dma_wait3A_168 : memref<1x624x128xf32, #tpu.memory_space<hbm>> -> memref<624x128xf32, #tpu.memory_space<hbm>>
      %dma_wait3A_170 = arith.constant 0 : i32
      %dma_wait3A_171 = tpu.memref_slice %arg20[%mul3A_11, %dma_wait3A_170] : memref<10000x128xf32, #tpu.memory_space<vmem_shared>> -> memref<624x128xf32, #tpu.memory_space<vmem_shared>>
      tpu.wait_dma2 semaphore(%run_scoped3A : memref<!tpu.dma_semaphore, #tpu.memory_space<semaphore_mem>>) src(%dma_wait3A_171 : memref<624x128xf32, #tpu.memory_space<vmem_shared>>) dst(%dma_wait3A_169 : memref<624x128xf32, #tpu.memory_space<hbm>>)
      tpu.yield
    }) : () -> ()
    %eq3A_157 = arith.constant 15 : i32
    %eq3A_158 = arith.cmpi eq, %arg1, %eq3A_157 : i32
    %convert_element_type3A_159 = arith.extui %eq3A_158 : i1 to i32
    %cond3A_160 = arith.constant 0 : i32
    %cond3A_161 = arith.cmpi ne, %convert_element_type3A_159, %cond3A_160 : i32
    scf.if %cond3A_161 {
      "tpu.region"() ({
        %run_scoped3A = tpu.sem_alloc : memref<!tpu.dma_semaphore, #tpu.memory_space<semaphore_mem>>
        %dma_start3A_162 = arith.constant 9984 : i32
        %dma_start3A_163 = arith.constant 0 : i32
        %dma_start3A_164 = tpu.memref_slice %arg5[%arg0, %dma_start3A_162, %dma_start3A_163] : memref<2x10000x128xf32, #tpu.memory_space<hbm>> -> memref<1x16x128xf32, #tpu.memory_space<hbm>>
        %dma_start3A_165 = tpu.memref_squeeze %dma_start3A_164 : memref<1x16x128xf32, #tpu.memory_space<hbm>> -> memref<16x128xf32, #tpu.memory_space<hbm>>
        %dma_start3A_166 = arith.constant 9984 : i32
        %dma_start3A_167 = arith.constant 0 : i32
        %dma_start3A_168 = tpu.memref_slice %arg20[%dma_start3A_166, %dma_start3A_167] : memref<10000x128xf32, #tpu.memory_space<vmem_shared>> -> memref<16x128xf32, #tpu.memory_space<vmem_shared>>
        tpu.enqueue_dma source(%dma_start3A_168 : memref<16x128xf32, #tpu.memory_space<vmem_shared>>) target(%dma_start3A_165 : memref<16x128xf32, #tpu.memory_space<hbm>>) target_semaphore(%run_scoped3A : memref<!tpu.dma_semaphore, #tpu.memory_space<semaphore_mem>>)
        %dma_wait3A_169 = arith.constant 9984 : i32
        %dma_wait3A_170 = arith.constant 0 : i32
        %dma_wait3A_171 = tpu.memref_slice %arg5[%arg0, %dma_wait3A_169, %dma_wait3A_170] : memref<2x10000x128xf32, #tpu.memory_space<hbm>> -> memref<1x16x128xf32, #tpu.memory_space<hbm>>
        %dma_wait3A_172 = tpu.memref_squeeze %dma_wait3A_171 : memref<1x16x128xf32, #tpu.memory_space<hbm>> -> memref<16x128xf32, #tpu.memory_space<hbm>>
        %dma_wait3A_173 = arith.constant 9984 : i32
        %dma_wait3A_174 = arith.constant 0 : i32
        %dma_wait3A_175 = tpu.memref_slice %arg20[%dma_wait3A_173, %dma_wait3A_174] : memref<10000x128xf32, #tpu.memory_space<vmem_shared>> -> memref<16x128xf32, #tpu.memory_space<vmem_shared>>
        tpu.wait_dma2 semaphore(%run_scoped3A : memref<!tpu.dma_semaphore, #tpu.memory_space<semaphore_mem>>) src(%dma_wait3A_175 : memref<16x128xf32, #tpu.memory_space<vmem_shared>>) dst(%dma_wait3A_172 : memref<16x128xf32, #tpu.memory_space<hbm>>)
        tpu.yield
      }) : () -> ()
    } else {
    }
    return
  }
}

module attributes {stable_mosaic.version = 14 : i64} {
  func.func @_add_body(%arg0: i32, %arg1: memref<2x1000x128xf32, #tpu.memory_space<vmem>>, %arg2: memref<1000x128xf32, #tpu.memory_space<vmem>>) attributes {dimension_semantics = [#tpu.dimension_semantics<arbitrary>], iteration_bounds = array<i64: 10>, scalar_prefetch = 0 : i64, scratch_operands = 0 : i64, tpu.core_type = #tpu.core_type<tc>, window_params = [{transform_indices = @transform_0, window_bounds = array<i64: 2, 1000, 128>}, {transform_indices = @transform_1, window_bounds = array<i64: 1000, 128>}]} {
    %get3A = arith.constant 0 : index
    %get3A_0 = arith.constant 0 : index
    %get3A_1 = arith.constant 0 : index
    %get3A_2 = vector.load %arg1[%get3A, %get3A_0, %get3A_1] : memref<2x1000x128xf32, #tpu.memory_space<vmem>>, vector<1x1000x128xf32>
    %get3A_3 = vector.shape_cast %get3A_2 : vector<1x1000x128xf32> to vector<1000x128xf32>
    %get3A_4 = arith.constant 1 : index
    %get3A_5 = arith.constant 0 : index
    %get3A_6 = arith.constant 0 : index
    %get3A_7 = vector.load %arg1[%get3A_4, %get3A_5, %get3A_6] : memref<2x1000x128xf32, #tpu.memory_space<vmem>>, vector<1x1000x128xf32>
    %get3A_8 = vector.shape_cast %get3A_7 : vector<1x1000x128xf32> to vector<1000x128xf32>
    %add3A = arith.addf %get3A_3, %get3A_8 : vector<1000x128xf32>
    %swap3A = arith.constant 0 : index
    %swap3A_9 = arith.constant 0 : index
    %swap3A_10 = vector.load %arg2[%swap3A, %swap3A_9] : memref<1000x128xf32, #tpu.memory_space<vmem>>, vector<1000x128xf32>
    tpu.vector_store %arg2[%swap3A, %swap3A_9], %add3A {strides = array<i32>} : memref<1000x128xf32, #tpu.memory_space<vmem>>, vector<1000x128xf32>,
    return
  }
  func.func @transform_0(%arg0: i32) -> (i32, i32, i32) {
    %c0_i32 = arith.constant 0 : i32
    %c0_i32_0 = arith.constant 0 : i32
    %c0_i32_1 = arith.constant 0 : i32
    return %c0_i32, %arg0, %c0_i32_0 : i32, i32, i32
  }
  func.func @transform_1(%arg0: i32) -> (i32, i32) {
    %c0_i32 = arith.constant 0 : i32
    %c0_i32_0 = arith.constant 0 : i32
    return %arg0, %c0_i32 : i32, i32
  }
}

module attributes {stable_mosaic.version = 14 : i64} {
  func.func @_mm_body(%arg0: i32, %arg1: memref<1000x128xf32, #tpu.memory_space<vmem>>, %arg2: memref<128x128xf32, #tpu.memory_space<vmem>>, %arg3: memref<1000x128xf32, #tpu.memory_space<vmem>>) attributes {dimension_semantics = [#tpu.dimension_semantics<arbitrary>], iteration_bounds = array<i64: 10>, scalar_prefetch = 0 : i64, scratch_operands = 0 : i64, tpu.core_type = #tpu.core_type<tc>, window_params = [{transform_indices = @transform_0, window_bounds = array<i64: 1000, 128>}, {pipeline_mode = #tpu.pipeline_mode<synchronous>, transform_indices = @transform_1, window_bounds = array<i64: 128, 128>}, {transform_indices = @transform_2, window_bounds = array<i64: 1000, 128>}]} {
    %get3A = arith.constant 0 : index
    %get3A_0 = arith.constant 0 : index
    %get3A_1 = vector.load %arg1[%get3A, %get3A_0] : memref<1000x128xf32, #tpu.memory_space<vmem>>, vector<1000x128xf32>
    %get3A_2 = arith.constant 0 : index
    %get3A_3 = arith.constant 0 : index
    %get3A_4 = vector.load %arg2[%get3A_2, %get3A_3] : memref<128x128xf32, #tpu.memory_space<vmem>>, vector<128x128xf32>
    %dot_general3A = arith.constant dense<0.000000e+00> : vector<1000x128xf32>
    %dot_general3A_5 = tpu.matmul %get3A_1, %get3A_4, %dot_general3A {dimension_numbers = #tpu.dot_dimension_numbers<[1], [1], [0], [0], [0, 0, 1, 0], [], []>, transpose_lhs_hint = false} : vector<1000x128xf32>, vector<128x128xf32>, vector<1000x128xf32> -> vector<1000x128xf32>
    %swap3A = arith.constant 0 : index
    %swap3A_6 = arith.constant 0 : index
    %swap3A_7 = vector.load %arg3[%swap3A, %swap3A_6] : memref<1000x128xf32, #tpu.memory_space<vmem>>, vector<1000x128xf32>
    tpu.vector_store %arg3[%swap3A, %swap3A_6], %dot_general3A_5 {strides = array<i32>} : memref<1000x128xf32, #tpu.memory_space<vmem>>, vector<1000x128xf32>,
    return
  }
  func.func @transform_0(%arg0: i32) -> (i32, i32) {
    %c0_i32 = arith.constant 0 : i32
    %c0_i32_0 = arith.constant 0 : i32
    return %arg0, %c0_i32 : i32, i32
  }
  func.func @transform_1(%arg0: i32) -> (i32, i32) {
    %c0_i32 = arith.constant 0 : i32
    %c0_i32_0 = arith.constant 0 : i32
    %c0_i32_1 = arith.constant 0 : i32
    return %c0_i32, %c0_i32_0 : i32, i32
  }
  func.func @transform_2(%arg0: i32) -> (i32, i32) {
    %c0_i32 = arith.constant 0 : i32
    %c0_i32_0 = arith.constant 0 : i32
    return %arg0, %c0_i32 : i32, i32
  }
}

</mosaic_0001>

<sc_bundles>
// kernel: kernel.5.cloned.1.call-start
scs
__scs_entry_jumppad:
0x0: {  	(pc) =	sbr.rel $0x88, $3  }
0x1: {  	(tag) =	ssettag $0x0;
	lr =	simm.s32 $0x1  }
0x2: {  	[smem:$0x3F9E] =	sst lr;
	_ =	strace $0xD0000000  }
0x3: {  	_ = 	snop  }
0x4: {  	_ = 	snop  }
0x5: {  	_ = 	snop  }
0x6: {  	_ = 	snop  }
0x7: {  	_ = 	snop  }
__scs_overlays_trampoline_lowered:
0x8: {  	[smem:$0x3FAD] =	sst s0  }
0x9: {  	[smem:$0x3FAE] =	sst s1  }
0xa: {  	[smem:$0x3FAF] =	sst s2  }
0xb: {  	[smem:$0x3FB0] =	sst s3  }
0xc: {  	[smem:$0x3FB1] =	sst s4  }
0xd: {  	[smem:$0x3FB2] =	sst s5  }
0xe: {  	[smem:$0x3FB3] =	sst s6  }
0xf: {  	[smem:$0x3FB4] =	sst s7  }
0x10: {  	[smem:$0x3FB5] =	sst s8  }
0x11: {  	[smem:$0x3FB6] =	sst s9;
	s0 =	simm.s32 @!p0 $0x0  }
0x12: {  	s1 =	sld [smem:$0x3F9C];
	s0 =	simm.s32 @p0 $0x1  }
0x13: {  	[smem:$0x3FB7] =	sst s0;
	s0 =	simm.s32 @!p1 $0x0  }
0x14: {  	s2 =	sld [smem:$0x3F9B];
	s0 =	simm.s32 @p1 $0x1  }
0x15: {  	[smem:$0x3FB8] =	sst s0;
	s0 =	simm.s32 @!p2 $0x0  }
0x16: {  	s3 =	sld [smem:$0x3FDB];
	s0 =	simm.s32 @p2 $0x1  }
0x17: {  	s4 =	simm.s32 $0x1BF5;
	[smem:$0x3FBA] =	sst s0  }
0x18: {  	s0 =	sld [smem:$0x3F9D];
	_ =	swait.ge [sflag:s4], $0x0  }
0x19: {  	s7 =	sld [smem:$0x3F9E]  }
0x1a: {  	s8 =	sadd.s32 $0xFFFFE003, lr  }
0x1b: {  	s9 =	sadd.s32 $0xFFFFFEF7, lr;
	s5 =	simm.s32 $0xFFFFFFFF;
	p2 =	slt.u32 s8, $0xFFFFF086  }
0x1c: {  	p1 =	slt.u32 s9, $0xF7A;
	s5 =	simm.s32 @!p2 $0x0  }
0x1d: {  	s5 =	simm.s32 @p1 $0x1;
	p0 =	seq.s32 s7, s2  }
0x1e: {  	s7 =	smul.u32 @!p0 $0xF7A, s2;
	p2 =	seq.s32 @!p0 s5, $0x0  }
0x1f: {  	s9 =	smul.u32 $0xF7A, s1;
	s8 =	simm.s32 @!p0 $0x1BF5;
	p2 =	por !p2, p0  }
0x20: {  	[sflag:s8] =	ssyncset.s32 @!p0 $0xFFFFF086;
	s6 =	sadd.s32 @!p0 s3, s7;
	s7 =	simm.s32 @!p0 $0x108  }
0x21: {  	s3 =	sadd.s32 s3, s9;
	s6 =	sadd.s32 @!p0 $0x88, s6;
	s7 =	simm.s32 @p2 $0x1082  }
0x22: {  	[simem:s7], [sflag:s8] =	dma.local @!p0 [hbm:s6], $0xF7A  }
0x23: {  	s9 =	sor.u32 $0xD0000000, s2;
	s6 =	simm.s32 $0x108;
	_ =	swait.ge @!p0 [sflag:s8], $0x0  }
0x24: {  	s3 =	sadd.s32 $0x88, s3;
	s6 =	simm.s32 @!p1 $0x1082;
	[sflag:s4] =	ssyncset.s32 $0xFFFFF086  }
0x25: {  	[simem:s6], [sflag:s4] =	dma.local [hbm:s3], $0xF7A  }
0x26: {  	[smem:$0x3F9E] =	sst s1;
	(tag) =	ssettag s2;
	_ =	strace s9  }
0x27: {  	s1 =	sld [smem:$0x3FAE]  }
0x28: {  	s2 =	sld [smem:$0x3FAF]  }
0x29: {  	s4 =	sld [smem:$0x3FB1]  }
0x2a: {  	p0 =	seq.s32 s5, $0x0;
	s5 =	sld [smem:$0x3FB2]  }
0x2b: {  	s6 =	sld [smem:$0x3FB3]  }
0x2c: {  	s7 =	sld [smem:$0x3FB4]  }
0x2d: {  	s3 =	simm.s32 $0x108;
	s8 =	sld [smem:$0x3FB5]  }
0x2e: {  	s3 =	simm.s32 @!p0 $0x1082;
	s9 =	sld [smem:$0x3FB6]  }
0x2f: {  	lr =	sadd.s32 s0, s3;
	s0 =	sld [smem:$0x3FAD]  }
0x30: {  	s3 =	sld [smem:$0x3FB0]  }
0x31: {  	[smem:$0x3FB9] =	sst s10  }
0x32: {  	s10 =	sld [smem:$0x3FB7];
	_ =	sdelay $0x3  }
0x33: {  	p0 =	seq.s32 s10, $0x1;
	s10 =	sld [smem:$0x3FB9];
	_ =	sdelay $0x3  }
0x34: {  	[smem:$0x3FB9] =	sst s10  }
0x35: {  	s10 =	sld [smem:$0x3FB8];
	_ =	sdelay $0x3  }
0x36: {  	p1 =	seq.s32 s10, $0x1;
	s10 =	sld [smem:$0x3FB9];
	_ =	sdelay $0x3  }
0x37: {  	[smem:$0x3FB9] =	sst s10  }
0x38: {  	s10 =	sld [smem:$0x3FBA]  }
0x39: {  	_ = 	snop;
	(pc) =	sbr.ind lr, $3  }
0x3a: {  	_ = 	snop  }
0x3b: {  	_ = 	snop  }
0x3c: {  	p2 =	seq.s32 s10, $0x1;
	s10 =	sld [smem:$0x3FB9]  }
0x3d: {  	_ =	shalt  }
0x3e: {  	_ =	shalt  }
0x3f: {  	_ =	shalt  }
0x40: {  	_ =	shalt  }
0x41: {  	_ =	shalt  }
0x42: {  	_ =	shalt  }
0x43: {  	_ =	shalt  }
0x44: {  	_ =	shalt  }
0x45: {  	_ =	shalt  }
0x46: {  	_ =	shalt  }
0x47: {  	_ =	shalt  }
0x48: {  	_ =	shalt  }
0x49: {  	_ =	shalt  }
0x4a: {  	_ =	shalt  }
0x4b: {  	_ =	shalt  }
0x4c: {  	_ =	shalt  }
0x4d: {  	_ =	shalt  }
0x4e: {  	_ =	shalt  }
0x4f: {  	_ =	shalt  }
0x50: {  	_ =	shalt  }
0x51: {  	_ =	shalt  }
0x52: {  	_ =	shalt  }
0x53: {  	_ =	shalt  }
0x54: {  	_ =	shalt  }
0x55: {  	_ =	shalt  }
0x56: {  	_ =	shalt  }
0x57: {  	_ =	shalt  }
0x58: {  	_ =	shalt  }
0x59: {  	_ =	shalt  }
0x5a: {  	_ =	shalt  }
0x5b: {  	_ =	shalt  }
0x5c: {  	_ =	shalt  }
0x5d: {  	_ =	shalt  }
0x5e: {  	_ =	shalt  }
0x5f: {  	_ =	shalt  }
0x60: {  	_ =	shalt  }
0x61: {  	_ =	shalt  }
0x62: {  	_ =	shalt  }
0x63: {  	_ =	shalt  }
0x64: {  	_ =	shalt  }
0x65: {  	_ =	shalt  }
0x66: {  	_ =	shalt  }
0x67: {  	_ =	shalt  }
0x68: {  	_ =	shalt  }
0x69: {  	_ =	shalt  }
0x6a: {  	_ =	shalt  }
0x6b: {  	_ =	shalt  }
0x6c: {  	_ =	shalt  }
0x6d: {  	_ =	shalt  }
0x6e: {  	_ =	shalt  }
0x6f: {  	_ =	shalt  }
0x70: {  	_ =	shalt  }
0x71: {  	_ =	shalt  }
0x72: {  	_ =	shalt  }
0x73: {  	_ =	shalt  }
0x74: {  	_ =	shalt  }
0x75: {  	_ =	shalt  }
0x76: {  	_ =	shalt  }
0x77: {  	_ =	shalt  }
0x78: {  	_ =	shalt  }
0x79: {  	_ =	shalt  }
0x7a: {  	_ =	shalt  }
0x7b: {  	_ =	shalt  }
0x7c: {  	_ =	shalt  }
0x7d: {  	_ =	shalt  }
0x7e: {  	_ =	shalt  }
0x7f: {  	_ =	shalt  }
0x80: {  	_ =	shalt  }
0x81: {  	_ =	shalt  }
0x82: {  	_ =	shalt  }
0x83: {  	_ =	shalt  }
0x84: {  	_ =	shalt  }
0x85: {  	_ =	shalt  }
0x86: {  	_ =	shalt  }
0x87: {  	_ =	shalt  }
.Lfunc_end0:
.L_simem_size_0:
called_computation_lowered:
.L_overlay_start_0:
0x88: {  	s2 =	sld [smem:$0x3FD9]  }
0x89: {  	s3 =	sld [smem:$0x3FFE];
	_ =	sdelay $0x1  }
0x8a: {  	s1 =	srdreg.scid  }
0x8b: {  	s0 =	sand.u32 $0x1, s1  }
0x8c: {  	s17 =	sshll.u32 s0, $0xA;
	s2 =	sadd.s32 s3, s2  }
0x8d: {  	s2 =	sadd.s32 s2, s17  }
0x8e: {  	[smem:$0x3FC5] =	sst s2  }
0x8f: {  	_ = 	snop  }
0x90: {  	s2 =	sld [smem:$0x3FD0];
	(tm) =	ssettm $0x1  }
0x91: {  	s18 =	sld [smem:$0x3FFB];
	_ =	sdelay $0x3  }
0x92: {  	_ =	strace s18  }
0x93: {  	s3 =	sld [smem:$0x3FFC];
	_ =	sdelay $0x3  }
0x94: {  	_ =	strace s3  }
0x95: {  	s3 =	sld [smem:$0x3FFD];
	_ =	sdelay $0x3  }
0x96: {  	_ =	strace s3  }
0x97: {  	_ =	strace $0x8FFFFFFF  }
0x98: {  	s19 =	sld [smem:$0x3FDB];
	_ =	sdelay $0x1  }
0x99: {  	s4 =	simm.s32 $_scs_section_size  }
0x9a: {  	s5 =	simm.s32 $_size__tile_overlayer_lowered;
	s6 =	simm.s32 $_tile_overlayer_lowered  }
0x9b: {  	s22 =	simm.s32 $0x1BFF;
	s21 =	sshll.u32 s6, $0x1;
	s3 =	sadd.s32 s4, s19  }
0x9c: {  	s7 =	simm.s32 $0x0;
	s20 =	sshll.u32 s5, $0x1;
	s5 =	sadd.s32 s21, s3  }
0x9d: {  	[timem:s7], [sflag:s22] =	dma.local [hbm:s5], s20  }
0x9e: {  	_ =	swait.ge [sflag:s22], s20  }
0x9f: {  	s4 =	ssub.s32 $0x0, s20;
	[sflag:s22] =	ssyncset.done $0x0  }
0xa0: {  	[sflag:s22] =	ssyncadd.s32 s4;
	_ =	sdelay $0x1  }
0xa1: {  	s23 =	simm.s32 $0x1B8B  }
0xa2: {  	_ =	swait.ge [sflag:s23], $0x1  }
0xa3: {  	[sflag:s23] =	ssyncset.done $0x0  }
0xa4: {  	s25 =	simm.s32 $0x1B8E;
	s24 =	sld [smem:$0x3FFE];
	[sflag:s23] =	ssyncadd.s32 $0xFFFFFFFF  }
0xa5: {  	s26 =	simm.s32 $execute0_lowered;
	[smem:$0x3FD2] =	sst s25  }
0xa6: {  	s5 =	sshll.u32 s26, $0x1;
	_ =	strace $0x80000046;
	[dreg:$0x1] =	wrdreg $0xFFFFFFFF  }
0xa7: {  	s28 =	simm.s32 $_size_execute0_lowered;
	s3 =	sadd.s32 s3, s5;
	[dreg:$0x0] =	wrdreg $0x0  }
0xa8: {  	s5 =	sshll.u32 s28, $0x1;
	[dreg:$0x2] =	wrdreg s3  }
0xa9: {  	[dreg:$0x3] =	wrdreg s5  }
0xaa: {  	[dreg:$0x4] =	wrdreg $0xC0  }
0xab: {  	_ =	task [dreg:s7], $0x5FFFF  }
0xac: {  	[dreg:$0x1] =	wrdreg $0xFFFFFFFF  }
0xad: {  	[dreg:$0x0] =	wrdreg $0x60  }
0xae: {  	[dreg:$0x2] =	wrdreg s2  }
0xaf: {  	[dreg:$0x3] =	wrdreg s24  }
0xb0: {  	[dreg:$0x4] =	wrdreg $0x95000  }
0xb1: {  	[dreg:$0x5] =	wrdreg $0x9  }
0xb2: {  	_ =	task.clear_ibuf [dreg:s7], $0x6FFFF;
	_ =	strace $0x90000046  }
0xb3: {  	s29 =	simm.s32 $0x9;
	_ =	strace $0x80000048  }
0xb4: {  	_ =	swait.ge [sflag:s29], $0x1  }
0xb5: {  	[sflag:s29] =	ssyncadd.s32 $0xFFFFFFFF  }
0xb6: {  	_ =	strace $0x90000048  }
0xb7: {  	_ =	sfence  }
0xb8: {  	s30 =	sld [smem:$0x0];
	_ =	sdelay $0x2  }
0xb9: {  	s31 =	sshll.u32 s1, $0xD;
	s1 =	sshrl.u32 s1, $0x2  }
0xba: {  	s3 =	sand.u32 $0x4000, s31;
	s1 =	sadd.s32 s1, s30  }
0xbb: {  	s0 =	sor.u32 s3, s0;
	s1 =	sshll.u32 s1, $0x11  }
0xbc: {  	s0 =	sor.u32 s1, s0  }
0xbd: {  	s0 =	sadd.s32 $0x8F2B, s0  }
0xbe: {  	[sflag:s0] =	ssyncadd.remote.s32 $0x1  }
0xbf: {  	_ =	sfence.sel $0xFFFF  }
0xc0: {  	[dreg:$0x0] =	wrdreg $0xFFFFFFFF;
	(pc) =	sbr.abs _section_cstart, $3  }
0xc1: {  	[dreg:$0x1] =	wrdreg $0xFFFFFFFF  }
0xc2: {  	_ =	task.clear_ibuf [dreg:s7], $0x2FFFF;
	_ =	strace $0x9FFFFFFF  }
0xc3: {  	(tm) =	ssettm $0x7FFFFFFF  }
tec
execute0_lowered:
.L_overlay_start_1:
0x0: {  	(tag) =	ssettag $0x1  }
0x1: {  	s1 =	rddreg [dreg:$0x0]  }
0x2: {  	s0 =	rddreg [dreg:$0x1]  }
0x3: {  	s2 =	rddreg [dreg:$0x2]  }
0x4: {  	s3 =	simm.s32 $0x0;
	s5 =	srdreg.scid;
	s13 =	stileid.u32  }
0x5: {  	s28 =	simm.s32 $0x1500;
	s29 =	simm.s32 $0x9;
	s30 =	simm.s32 $0xA80  }
0x6: {  	s31 =	simm.s32 $0x40;
	[smem:$0x7FF] =	sst s3;
	s23 =	smul.u32 $0x4E000, s13  }
0x7: {  	s4 =	sadd.s32 $0xA200, s0;
	s6 =	sadd.s32 $0x400, s0;
	s7 =	sand.u32 $0x1, s5  }
0x8: {  	s0 =	sadd.s32 $0x14000, s0;
	p0 =	sne.s32 s13, $0xF;
	s5 =	sshrl.u32 s23, $0x2  }
0x9: {  	_ =	strace $0x80000047;
	s8 =	ssub.s32 $0x2, s7;
	s5 =	sadd.s32 s5, s2  }
0xa: {  	s9 =	sshll.u32 s7, $0x4;
	s7 =	smul.u32 $0x138800, s7;
	s24 =	sadd.s32 $0x2000, s5  }
0xb: {  	s10 =	sshrl.u32 s8, $0x1;
	s25 =	sadd.s32 $0x4000, s5;
	[dreg:$0x4] =	wrdreg s24  }
0xc: {  	s9 =	sor.u32 s13, s9;
	s26 =	sadd.s32 $0x6000, s5;
	[dreg:$0x5] =	wrdreg s25  }
0xd: {  	s8 =	ssub.s32 s8, s10;
	s11 =	sadd.s32 $0x8000, s5;
	[dreg:$0x6] =	wrdreg s26  }
0xe: {  	s9 =	smul.u32 $0x2710, s9;
	s12 =	sadd.s32 $0xA000, s5;
	[dreg:$0x7] =	wrdreg s11  }
0xf: {  	s23 =	sshrl.u32 s7, $0x3;
	s14 =	sadd.s32 $0xC000, s5;
	[dreg:$0x8] =	wrdreg s12  }
0x10: {  	s15 =	sadd.s32 $0xE000, s5;
	s9 =	sshrl.u32 s9, $0x3;
	[dreg:$0x9] =	wrdreg s14  }
0x11: {  	[dreg:$0xa] =	wrdreg s15;
	s12 =	smul.u32 $0x13800, s13;
	s24 =	sadd.s32 $0x10000, s5  }
0x12: {  	s25 =	sadd.s32 $0x12000, s5;
	s26 =	smax.u32 s8, $0x1;
	s8 =	simm.s32 $0x2  }
0x13: {  	s13 =	simm.s32 $0xB00;
	s14 =	simm.s32 $0x5;
	[dreg:$0x13] =	wrdreg s24  }
0x14: {  	s15 =	simm.s32 $0x100;
	s16 =	sadd.s32 s4, s9;
	[dreg:$0x15] =	wrdreg s25  }
0x15: {  	s17 =	sadd.s32 s6, s9;
	s18 =	sadd.s32 $0x140, s9;
	[dreg:$0x17] =	wrdreg s26  }
0x16: {  	s19 =	sadd.s32 $0x280, s9;
	s9 =	sadd.s32 $0x3C0, s9;
	[dreg:$0xb] =	wrdreg s16  }
0x17: {  	s26 =	sadd.s32 $0x138000, s2;
	[dreg:$0xc] =	wrdreg s17;
	s11 =	sadd.s32 s4, s18  }
0x18: {  	s10 =	sadd.s32 s6, s18;
	s20 =	sadd.s32 s4, s19;
	s21 =	sadd.s32 s6, s19  }
0x19: {  	s4 =	sadd.s32 s4, s9;
	s22 =	sadd.s32 s12, s7;
	[dreg:$0xd] =	wrdreg s11  }
0x1a: {  	s6 =	sadd.s32 s6, s9;
	s7 =	simm.s32 $0x5500;
	[dreg:$0xe] =	wrdreg s10  }
0x1b: {  	s9 =	simm.s32 $0xAC0;
	s12 =	simm.s32 $0x3;
	[dreg:$0xf] =	wrdreg s20  }
0x1c: {  	s16 =	simm.s32 $0x4;
	s17 =	simm.s32 $0xB40;
	[dreg:$0x10] =	wrdreg s21  }
0x1d: {  	s18 =	simm.s32 $0x6;
	s19 =	simm.s32 $0x140;
	[dreg:$0x11] =	wrdreg s4  }
.Ltmp0:
0x1e: {  	[dreg:$0x12] =	wrdreg s6;
	s4 =	sshrl.u32 s22, $0x3;
	(pc) =	sbr.rel .LBB2_1-.Ltmp0, $4  }
0x1f: {  	s6 =	simm.s32 $0x80;
	s10 =	simm.s32 $0xC0;
	s11 =	simm.s32 $0x7500  }
0x20: {  	s20 =	simm.s32 $0x7;
	s4 =	sadd.s32 s0, s4;
	s0 =	sadd.s32 s0, s23  }
0x21: {  	s21 =	simm.s32 $0x8;
	[dreg:$0x14] =	wrdreg s4;
	s0 =	sadd.s32 $0x27000, s0  }
0x22: {  	v0 =	vimm.f32 $0.0e+00;
	s4 =	simm.s32 $0x1;
	[dreg:$0x16] =	wrdreg s0;
	s0 =	simm.s32 $0x3500  }
.LBB2_15:
0x23: {  	_ =	swait.ge [sflag:s16], $0x2000  }
0x24: {  	[sflag:s16] =	ssyncset.done $0x0  }
0x25: {  	[sflag:s16] =	ssyncadd.s32 $0xFFFFE000  }
0x26: {  	[spmem:s2] =	stream.indirect.scatter.add.f32 [tilespmem:s11], [sflag:$0x8], $0x80, s25, s31, $0xb8;
	[tilespmem:$0x1CD80] =	vst v63  }
0x27: {  	_ =	swait.ge [sflag:s18], $0x2000  }
0x28: {  	[sflag:s18] =	ssyncset.done $0x0  }
0x29: {  	[sflag:s18] =	ssyncadd.s32 $0xFFFFE000  }
0x2a: {  	_ =	swait.ge [sflag:s20], $0x2000  }
0x2b: {  	[sflag:s20] =	ssyncset.done $0x0  }
0x2c: {  	[sflag:s20] =	ssyncadd.s32 $0xFFFFE000  }
0x2d: {  	_ =	swait.ge [sflag:s21], $0x2000  }
0x2e: {  	[sflag:s21] =	ssyncset.done $0x0  }
0x2f: {  	s22 =	simm.s32 $0x10;
	s23 =	simm.s32 $0x900;
	[sflag:s21] =	ssyncadd.s32 $0xFFFFE000  }
0x30: {  	[tilespmem:s28], [sflag:$0x9] =	stream.indirect.gather [hbm4b:s1+s22], $0x80, s23, s22, $0xb8;
	[tilespmem:$0x1CD80] =	vst v63  }
0x31: {  	_ =	swait.ge [sflag:s29], $0x800  }
0x32: {  	[sflag:s29] =	ssyncset.done $0x0  }
0x33: {  	s25 =	simm.s32 $0x1380;
	[sflag:s29] =	ssyncadd.s32 $0xFFFFF800  }
0x34: {  	[spmem:s2] =	stream.indirect.scatter.add.f32 [tilespmem:s28], [sflag:$0x9], $0x80, s25, s22, $0xb8;
	[tilespmem:$0x1CD80] =	vst v63  }
0x35: {  	_ =	swait.ge [sflag:s29], $0x800  }
0x36: {  	[sflag:s29] =	ssyncset.done $0x0  }
0x37: {  	s24 =	stileid.u32;
	[sflag:s29] =	ssyncadd.s32 $0xFFFFF800  }
0x38: {  	s22 =	sshll.u32 s24, $0x6;
	[bflag:$0x0] =	sbarrier.arrive $0xFFFF  }
0x39: {  	s25 =	sshrl.u32 s5, $0x3;
	s22 =	sor.u32 $0x1C09, s22;
	s24 =	rddreg [dreg:$0x14]  }
0x3a: {  	[hbm:s24], [sflag:s22] =	dma.local [spmem:s25], $0x2700  }
0x3b: {  	_ =	swait.ge [sflag:s29], $0x2700  }
0x3c: {  	[sflag:s29] =	ssyncset.done $0x0  }
0x3d: {  	s23 =	sshrl.u32 @!p0 s26, $0x3;
	s24 =	rddreg [dreg:$0x16];
	[sflag:s29] =	ssyncadd.s32 $0xFFFFD900  }
0x3e: {  	[hbm:s24], [sflag:s22] =	dma.local @!p0 [spmem:s23], $0x100  }
0x3f: {  	s22 =	simm.s32 @!p0 $0x9  }
0x40: {  	_ =	swait.ge @!p0 [sflag:s22], $0x100  }
0x41: {  	s3 =	sadd.s32 $0x1, s3;
	s25 =	rddreg [dreg:$0x17]  }
0x42: {  	p1 =	sne.s32 s3, s25  }
.Ltmp1:
0x43: {  	_ = 	snop;
	(pc) =	sbr.rel @!p1 .LBB2_16-.Ltmp1, $3  }
0x44: {  	_ =	sdelay $0x1  }
0x45: {  	[sflag:s22] =	ssyncset.done @!p0 $0x0  }
0x46: {  	[sflag:s22] =	ssyncadd.s32 @!p0 $0xFFFFFF00  }
.LBB2_1:
0x47: {  	s23 =	simm.s32 $0x0;
	s24 =	simm.s32 $0x200  }
.LBB2_2:
0x48: {  	p1 =	sne.s32 s24, $0x7E00;
	[tilespmem:s23+$0x1570] =	vst v0  }
0x49: {  	[tilespmem:s23+$0x1500] =	vst v0  }
0x4a: {  	[tilespmem:s23+$0x1510] =	vst v0  }
.Ltmp2:
0x4b: {  	[tilespmem:s23+$0x1520] =	vst v0;
	(pc) =	sbr.rel @p1 .LBB2_2-.Ltmp2, $4  }
0x4c: {  	[tilespmem:s23+$0x1530] =	vst v0  }
0x4d: {  	[tilespmem:s23+$0x1540] =	vst v0  }
0x4e: {  	[tilespmem:s23+$0x1550] =	vst v0  }
0x4f: {  	[tilespmem:s23+$0x1560] =	vst v0;
	s23 =	sshra.s32 s24, $0x2;
	s24 =	sadd.s32 $0x200, s24  }
0x50: {  	[tilespmem:s23+$0x1570] =	vst v0  }
0x51: {  	[tilespmem:s23+$0x1500] =	vst v0  }
0x52: {  	[tilespmem:s23+$0x1510] =	vst v0  }
0x53: {  	[tilespmem:s23+$0x1520] =	vst v0  }
0x54: {  	[tilespmem:s23+$0x1530] =	vst v0  }
0x55: {  	[tilespmem:s23+$0x1540] =	vst v0  }
0x56: {  	[tilespmem:s23+$0x1550] =	vst v0  }
0x57: {  	[tilespmem:s23+$0x1560] =	vst v0  }
0x58: {  	[spmem:s5] =	stream.linear.scatter [tilespmem:s28], [sflag:$0x9], $0x2000, $0x38;
	[tilespmem:$0x1CD80] =	vst v63  }
0x59: {  	_ =	swait.ge [sflag:s29], $0x2000  }
0x5a: {  	[sflag:s29] =	ssyncset.done $0x0  }
0x5b: {  	s22 =	rddreg [dreg:$0x4];
	[sflag:s29] =	ssyncadd.s32 $0xFFFFE000  }
0x5c: {  	[spmem:s22] =	stream.linear.scatter [tilespmem:s28], [sflag:$0x9], $0x2000, $0x38;
	[tilespmem:$0x1CD80] =	vst v63  }
0x5d: {  	_ =	swait.ge [sflag:s29], $0x2000  }
0x5e: {  	[sflag:s29] =	ssyncset.done $0x0  }
0x5f: {  	s25 =	rddreg [dreg:$0x5];
	[sflag:s29] =	ssyncadd.s32 $0xFFFFE000  }
0x60: {  	[spmem:s25] =	stream.linear.scatter [tilespmem:s28], [sflag:$0x9], $0x2000, $0x38;
	[tilespmem:$0x1CD80] =	vst v63  }
0x61: {  	_ =	swait.ge [sflag:s29], $0x2000  }
0x62: {  	[sflag:s29] =	ssyncset.done $0x0  }
0x63: {  	s23 =	rddreg [dreg:$0x6];
	[sflag:s29] =	ssyncadd.s32 $0xFFFFE000  }
0x64: {  	[spmem:s23] =	stream.linear.scatter [tilespmem:s28], [sflag:$0x9], $0x2000, $0x38;
	[tilespmem:$0x1CD80] =	vst v63  }
0x65: {  	_ =	swait.ge [sflag:s29], $0x2000  }
0x66: {  	[sflag:s29] =	ssyncset.done $0x0  }
0x67: {  	s24 =	rddreg [dreg:$0x7];
	[sflag:s29] =	ssyncadd.s32 $0xFFFFE000  }
0x68: {  	[spmem:s24] =	stream.linear.scatter [tilespmem:s28], [sflag:$0x9], $0x2000, $0x38;
	[tilespmem:$0x1CD80] =	vst v63  }
0x69: {  	_ =	swait.ge [sflag:s29], $0x2000  }
0x6a: {  	[sflag:s29] =	ssyncset.done $0x0  }
0x6b: {  	s25 =	rddreg [dreg:$0x8];
	[sflag:s29] =	ssyncadd.s32 $0xFFFFE000  }
0x6c: {  	[spmem:s25] =	stream.linear.scatter [tilespmem:s28], [sflag:$0x9], $0x2000, $0x38;
	[tilespmem:$0x1CD80] =	vst v63  }
0x6d: {  	_ =	swait.ge [sflag:s29], $0x2000  }
0x6e: {  	[sflag:s29] =	ssyncset.done $0x0  }
0x6f: {  	s23 =	rddreg [dreg:$0x9];
	[sflag:s29] =	ssyncadd.s32 $0xFFFFE000  }
0x70: {  	[spmem:s23] =	stream.linear.scatter [tilespmem:s28], [sflag:$0x9], $0x2000, $0x38;
	[tilespmem:$0x1CD80] =	vst v63  }
0x71: {  	_ =	swait.ge [sflag:s29], $0x2000  }
0x72: {  	[sflag:s29] =	ssyncset.done $0x0  }
0x73: {  	s24 =	rddreg [dreg:$0xa];
	[sflag:s29] =	ssyncadd.s32 $0xFFFFE000  }
0x74: {  	[spmem:s24] =	stream.linear.scatter [tilespmem:s28], [sflag:$0x9], $0x2000, $0x38;
	[tilespmem:$0x1CD80] =	vst v63  }
0x75: {  	_ =	swait.ge [sflag:s29], $0x2000  }
0x76: {  	[sflag:s29] =	ssyncset.done $0x0  }
0x77: {  	s25 =	rddreg [dreg:$0x13];
	[sflag:s29] =	ssyncadd.s32 $0xFFFFE000  }
0x78: {  	[spmem:s25] =	stream.linear.scatter [tilespmem:s28], [sflag:$0x9], $0x2000, $0x38;
	[tilespmem:$0x1CD80] =	vst v63  }
0x79: {  	_ =	swait.ge [sflag:s29], $0x2000  }
0x7a: {  	[sflag:s29] =	ssyncset.done $0x0  }
0x7b: {  	s23 =	rddreg [dreg:$0x15];
	[sflag:s29] =	ssyncadd.s32 $0xFFFFE000  }
0x7c: {  	[spmem:s23] =	stream.linear.scatter [tilespmem:s28], [sflag:$0x9], $0x1800, $0x38;
	[tilespmem:$0x1CD80] =	vst v63  }
0x7d: {  	_ =	swait.ge [sflag:s29], $0x1800  }
0x7e: {  	[sflag:s29] =	ssyncset.done $0x0  }
0x7f: {  	s23 =	simm.s32 @!p0 $0x1500;
	[sflag:s29] =	ssyncadd.s32 $0xFFFFE800  }
0x80: {  	[spmem:s26] =	stream.linear.scatter @!p0 [tilespmem:s23], [sflag:$0x9], $0x800, $0x38;
	[tilespmem:$0x1CD80] =	vst v63  }
0x81: {  	s23 =	simm.s32 @!p0 $0x9  }
0x82: {  	_ =	swait.ge @!p0 [sflag:s23], $0x800  }
0x83: {  	[sflag:s23] =	ssyncset.done @!p0 $0x0  }
0x84: {  	[sflag:s23] =	ssyncadd.s32 @!p0 $0xFFFFF800  }
0x85: {  	[bflag:$0x0] =	sbarrier.arrive $0xFFFF  }
0x86: {  	s23 =	simm.s32 $0x0;
	s24 =	rddreg [dreg:$0xb]  }
0x87: {  	[tilespmem:s23], [sflag:$0x9] =	stream.linear.gather [hbm4b:s24+s23], $0xA00, $0x38;
	[tilespmem:$0x1CD80] =	vst v63  }
0x88: {  	_ =	swait.ge [sflag:s29], $0xA00  }
0x89: {  	[sflag:s29] =	ssyncset.done $0x0  }
0x8a: {  	s25 =	rddreg [dreg:$0xc];
	[sflag:s29] =	ssyncadd.s32 $0xFFFFF600  }
0x8b: {  	[tilespmem:s30], [sflag:$0x9] =	stream.linear.gather [hbm4b:s25+s23], $0xA00, $0x38;
	[tilespmem:$0x1CD80] =	vst v63  }
0x8c: {  	_ =	swait.ge [sflag:s29], $0xA00  }
0x8d: {  	[sflag:s29] =	ssyncset.done $0x0  }
0x8e: {  	[sflag:s29] =	ssyncadd.s32 $0xFFFFF600  }
0x8f: {  	[tilespmem:s28], [sflag:$0x1] =	stream.indirect.gather [hbm4b:s1+s31], $0x80, s23, s31, $0xb8;
	[tilespmem:$0x1CD80] =	vst v63  }
0x90: {  	_ = 	snop  }
0x91: {  	[tilespmem:s0], [sflag:$0x2] =	stream.indirect.gather [hbm4b:s1+s31], $0x80, s31, s31, $0xb8;
	[tilespmem:$0x1CD80] =	vst v63  }
0x92: {  	_ =	swait.ge [sflag:s4], $0x2000  }
0x93: {  	[sflag:s4] =	ssyncset.done $0x0  }
0x94: {  	[sflag:s4] =	ssyncadd.s32 $0xFFFFE000  }
0x95: {  	[spmem:s2] =	stream.indirect.scatter.add.f32 [tilespmem:s28], [sflag:$0x5], $0x80, s30, s31, $0xb8;
	[tilespmem:$0x1CD80] =	vst v63  }
0x96: {  	_ = 	snop  }
0x97: {  	[tilespmem:s7], [sflag:$0x3] =	stream.indirect.gather [hbm4b:s1+s31], $0x80, s6, s31, $0xb8;
	[tilespmem:$0x1CD80] =	vst v63  }
0x98: {  	_ =	swait.ge [sflag:s8], $0x2000  }
0x99: {  	[sflag:s8] =	ssyncset.done $0x0  }
0x9a: {  	[sflag:s8] =	ssyncadd.s32 $0xFFFFE000  }
0x9b: {  	[spmem:s2] =	stream.indirect.scatter.add.f32 [tilespmem:s0], [sflag:$0x6], $0x80, s9, s31, $0xb8;
	[tilespmem:$0x1CD80] =	vst v63  }
0x9c: {  	_ = 	snop  }
0x9d: {  	[tilespmem:s11], [sflag:$0x4] =	stream.indirect.gather [hbm4b:s1+s31], $0x80, s10, s31, $0xb8;
	[tilespmem:$0x1CD80] =	vst v63  }
0x9e: {  	_ =	swait.ge [sflag:s12], $0x2000  }
0x9f: {  	[sflag:s12] =	ssyncset.done $0x0  }
0xa0: {  	[sflag:s12] =	ssyncadd.s32 $0xFFFFE000  }
0xa1: {  	[spmem:s2] =	stream.indirect.scatter.add.f32 [tilespmem:s7], [sflag:$0x7], $0x80, s13, s31, $0xb8;
	[tilespmem:$0x1CD80] =	vst v63  }
0xa2: {  	_ =	swait.ge [sflag:s14], $0x2000  }
0xa3: {  	[sflag:s14] =	ssyncset.done $0x0  }
0xa4: {  	[sflag:s14] =	ssyncadd.s32 $0xFFFFE000  }
0xa5: {  	[tilespmem:s28], [sflag:$0x1] =	stream.indirect.gather [hbm4b:s1+s31], $0x80, s15, s31, $0xb8;
	[tilespmem:$0x1CD80] =	vst v63  }
0xa6: {  	_ =	swait.ge [sflag:s16], $0x2000  }
0xa7: {  	[sflag:s16] =	ssyncset.done $0x0  }
0xa8: {  	[sflag:s16] =	ssyncadd.s32 $0xFFFFE000  }
0xa9: {  	[spmem:s2] =	stream.indirect.scatter.add.f32 [tilespmem:s11], [sflag:$0x8], $0x80, s17, s31, $0xb8;
	[tilespmem:$0x1CD80] =	vst v63  }
0xaa: {  	_ =	swait.ge [sflag:s18], $0x2000  }
0xab: {  	[sflag:s18] =	ssyncset.done $0x0  }
0xac: {  	[sflag:s18] =	ssyncadd.s32 $0xFFFFE000  }
0xad: {  	[tilespmem:s0], [sflag:$0x2] =	stream.indirect.gather [hbm4b:s1+s31], $0x80, s19, s31, $0xb8;
	[tilespmem:$0x1CD80] =	vst v63  }
.LBB2_4:
0xae: {  	_ =	swait.ge [sflag:s4], $0x2000  }
0xaf: {  	s24 =	sshra.s32 s23, $0x2;
	[sflag:s4] =	ssyncset.done $0x0  }
0xb0: {  	s25 =	sadd.s32 $0xB80, s24;
	[sflag:s4] =	ssyncadd.s32 $0xFFFFE000  }
0xb1: {  	[spmem:s2] =	stream.indirect.scatter.add.f32 [tilespmem:s28], [sflag:$0x5], $0x80, s25, s31, $0xb8;
	[tilespmem:$0x1CD80] =	vst v63  }
0xb2: {  	_ =	swait.ge [sflag:s20], $0x2000  }
0xb3: {  	[sflag:s20] =	ssyncset.done $0x0  }
0xb4: {  	s22 =	sadd.s32 $0x180, s24;
	[sflag:s20] =	ssyncadd.s32 $0xFFFFE000  }
0xb5: {  	[tilespmem:s7], [sflag:$0x3] =	stream.indirect.gather [hbm4b:s1+s31], $0x80, s22, s31, $0xb8;
	[tilespmem:$0x1CD80] =	vst v63  }
0xb6: {  	_ =	swait.ge [sflag:s8], $0x2000  }
0xb7: {  	[sflag:s8] =	ssyncset.done $0x0  }
0xb8: {  	s22 =	sadd.s32 $0xBC0, s24;
	[sflag:s8] =	ssyncadd.s32 $0xFFFFE000  }
0xb9: {  	[spmem:s2] =	stream.indirect.scatter.add.f32 [tilespmem:s0], [sflag:$0x6], $0x80, s22, s31, $0xb8;
	[tilespmem:$0x1CD80] =	vst v63  }
0xba: {  	_ =	swait.ge [sflag:s21], $0x2000  }
0xbb: {  	[sflag:s21] =	ssyncset.done $0x0  }
0xbc: {  	s22 =	sadd.s32 $0x1C0, s24;
	[sflag:s21] =	ssyncadd.s32 $0xFFFFE000  }
0xbd: {  	[tilespmem:s11], [sflag:$0x4] =	stream.indirect.gather [hbm4b:s1+s31], $0x80, s22, s31, $0xb8;
	[tilespmem:$0x1CD80] =	vst v63  }
0xbe: {  	_ =	swait.ge [sflag:s12], $0x2000  }
0xbf: {  	p1 =	seq.s32 s23, $0x2000;
	[sflag:s12] =	ssyncset.done $0x0  }
.Ltmp3:
0xc0: {  	s22 =	sadd.s32 $0xC00, s24;
	[sflag:s12] =	ssyncadd.s32 $0xFFFFE000;
	(pc) =	sbr.rel @p1 .LBB2_6-.Ltmp3, $4  }
0xc1: {  	[spmem:s2] =	stream.indirect.scatter.add.f32 [tilespmem:s7], [sflag:$0x7], $0x80, s22, s31, $0xb8;
	[tilespmem:$0x1CD80] =	vst v63  }
0xc2: {  	_ =	swait.ge [sflag:s14], $0x2000  }
0xc3: {  	[sflag:s14] =	ssyncset.done $0x0  }
0xc4: {  	s25 =	sadd.s32 $0xC40, s24;
	[sflag:s14] =	ssyncadd.s32 $0xFFFFE000  }
0xc5: {  	s22 =	sadd.s32 $0x200, s24  }
0xc6: {  	[tilespmem:s28], [sflag:$0x1] =	stream.indirect.gather [hbm4b:s1+s31], $0x80, s22, s31, $0xb8;
	[tilespmem:$0x1CD80] =	vst v63  }
0xc7: {  	_ =	swait.ge [sflag:s16], $0x2000  }
0xc8: {  	[sflag:s16] =	ssyncset.done $0x0  }
0xc9: {  	[sflag:s16] =	ssyncadd.s32 $0xFFFFE000  }
0xca: {  	[spmem:s2] =	stream.indirect.scatter.add.f32 [tilespmem:s11], [sflag:$0x8], $0x80, s25, s31, $0xb8;
	[tilespmem:$0x1CD80] =	vst v63  }
.Ltmp4:
0xcb: {  	_ = 	snop;
	(pc) =	sbr.rel .LBB2_4-.Ltmp4, $4  }
0xcc: {  	_ =	swait.ge [sflag:s18], $0x2000  }
0xcd: {  	[sflag:s18] =	ssyncset.done $0x0  }
0xce: {  	s23 =	sadd.s32 $0x400, s23;
	s25 =	sadd.s32 $0x240, s24;
	[sflag:s18] =	ssyncadd.s32 $0xFFFFE000  }
0xcf: {  	[tilespmem:s0], [sflag:$0x2] =	stream.indirect.gather [hbm4b:s1+s31], $0x80, s25, s31, $0xb8;
	[tilespmem:$0x1CD80] =	vst v63  }
.LBB2_6:
0xd0: {  	_ =	swait.ge [sflag:s16], $0x2000  }
0xd1: {  	[sflag:s16] =	ssyncset.done $0x0  }
0xd2: {  	[sflag:s16] =	ssyncadd.s32 $0xFFFFE000  }
0xd3: {  	[spmem:s2] =	stream.indirect.scatter.add.f32 [tilespmem:s11], [sflag:$0x8], $0x80, s25, s31, $0xb8;
	[tilespmem:$0x1CD80] =	vst v63  }
0xd4: {  	_ =	swait.ge [sflag:s18], $0x2000  }
0xd5: {  	[sflag:s18] =	ssyncset.done $0x0  }
0xd6: {  	[sflag:s18] =	ssyncadd.s32 $0xFFFFE000  }
0xd7: {  	_ =	swait.ge [sflag:s20], $0x2000  }
0xd8: {  	[sflag:s20] =	ssyncset.done $0x0  }
0xd9: {  	[sflag:s20] =	ssyncadd.s32 $0xFFFFE000  }
0xda: {  	_ =	swait.ge [sflag:s21], $0x2000  }
0xdb: {  	[sflag:s21] =	ssyncset.done $0x0  }
0xdc: {  	s23 =	simm.s32 $0x0;
	s22 =	rddreg [dreg:$0xd];
	[sflag:s21] =	ssyncadd.s32 $0xFFFFE000  }
0xdd: {  	[tilespmem:s23], [sflag:$0x9] =	stream.linear.gather [hbm4b:s22+s23], $0xA00, $0x38;
	[tilespmem:$0x1CD80] =	vst v63  }
0xde: {  	_ =	swait.ge [sflag:s29], $0xA00  }
0xdf: {  	[sflag:s29] =	ssyncset.done $0x0  }
0xe0: {  	s25 =	rddreg [dreg:$0xe];
	[sflag:s29] =	ssyncadd.s32 $0xFFFFF600  }
0xe1: {  	[tilespmem:s30], [sflag:$0x9] =	stream.linear.gather [hbm4b:s25+s23], $0xA00, $0x38;
	[tilespmem:$0x1CD80] =	vst v63  }
0xe2: {  	_ =	swait.ge [sflag:s29], $0xA00  }
0xe3: {  	[sflag:s29] =	ssyncset.done $0x0  }
0xe4: {  	[sflag:s29] =	ssyncadd.s32 $0xFFFFF600  }
0xe5: {  	[tilespmem:s28], [sflag:$0x1] =	stream.indirect.gather [hbm4b:s1+s31], $0x80, s23, s31, $0xb8;
	[tilespmem:$0x1CD80] =	vst v63  }
0xe6: {  	_ = 	snop  }
0xe7: {  	[tilespmem:s0], [sflag:$0x2] =	stream.indirect.gather [hbm4b:s1+s31], $0x80, s31, s31, $0xb8;
	[tilespmem:$0x1CD80] =	vst v63  }
0xe8: {  	_ =	swait.ge [sflag:s4], $0x2000  }
0xe9: {  	[sflag:s4] =	ssyncset.done $0x0  }
0xea: {  	[sflag:s4] =	ssyncadd.s32 $0xFFFFE000  }
0xeb: {  	[spmem:s2] =	stream.indirect.scatter.add.f32 [tilespmem:s28], [sflag:$0x5], $0x80, s30, s31, $0xb8;
	[tilespmem:$0x1CD80] =	vst v63  }
0xec: {  	_ = 	snop  }
0xed: {  	[tilespmem:s7], [sflag:$0x3] =	stream.indirect.gather [hbm4b:s1+s31], $0x80, s6, s31, $0xb8;
	[tilespmem:$0x1CD80] =	vst v63  }
0xee: {  	_ =	swait.ge [sflag:s8], $0x2000  }
0xef: {  	[sflag:s8] =	ssyncset.done $0x0  }
0xf0: {  	[sflag:s8] =	ssyncadd.s32 $0xFFFFE000  }
0xf1: {  	[spmem:s2] =	stream.indirect.scatter.add.f32 [tilespmem:s0], [sflag:$0x6], $0x80, s9, s31, $0xb8;
	[tilespmem:$0x1CD80] =	vst v63  }
0xf2: {  	_ = 	snop  }
0xf3: {  	[tilespmem:s11], [sflag:$0x4] =	stream.indirect.gather [hbm4b:s1+s31], $0x80, s10, s31, $0xb8;
	[tilespmem:$0x1CD80] =	vst v63  }
0xf4: {  	_ =	swait.ge [sflag:s12], $0x2000  }
0xf5: {  	[sflag:s12] =	ssyncset.done $0x0  }
0xf6: {  	[sflag:s12] =	ssyncadd.s32 $0xFFFFE000  }
0xf7: {  	[spmem:s2] =	stream.indirect.scatter.add.f32 [tilespmem:s7], [sflag:$0x7], $0x80, s13, s31, $0xb8;
	[tilespmem:$0x1CD80] =	vst v63  }
0xf8: {  	_ =	swait.ge [sflag:s14], $0x2000  }
0xf9: {  	[sflag:s14] =	ssyncset.done $0x0  }
0xfa: {  	[sflag:s14] =	ssyncadd.s32 $0xFFFFE000  }
0xfb: {  	[tilespmem:s28], [sflag:$0x1] =	stream.indirect.gather [hbm4b:s1+s31], $0x80, s15, s31, $0xb8;
	[tilespmem:$0x1CD80] =	vst v63  }
0xfc: {  	_ =	swait.ge [sflag:s16], $0x2000  }
0xfd: {  	[sflag:s16] =	ssyncset.done $0x0  }
0xfe: {  	[sflag:s16] =	ssyncadd.s32 $0xFFFFE000  }
0xff: {  	[spmem:s2] =	stream.indirect.scatter.add.f32 [tilespmem:s11], [sflag:$0x8], $0x80, s17, s31, $0xb8;
	[tilespmem:$0x1CD80] =	vst v63  }
0x100: {  	_ =	swait.ge [sflag:s18], $0x2000  }
0x101: {  	[sflag:s18] =	ssyncset.done $0x0  }
0x102: {  	[sflag:s18] =	ssyncadd.s32 $0xFFFFE000  }
0x103: {  	[tilespmem:s0], [sflag:$0x2] =	stream.indirect.gather [hbm4b:s1+s31], $0x80, s19, s31, $0xb8;
	[tilespmem:$0x1CD80] =	vst v63  }
.LBB2_7:
0x104: {  	_ =	swait.ge [sflag:s4], $0x2000  }
0x105: {  	s24 =	sshra.s32 s23, $0x2;
	[sflag:s4] =	ssyncset.done $0x0  }
0x106: {  	s22 =	sadd.s32 $0xB80, s24;
	[sflag:s4] =	ssyncadd.s32 $0xFFFFE000  }
0x107: {  	[spmem:s2] =	stream.indirect.scatter.add.f32 [tilespmem:s28], [sflag:$0x5], $0x80, s22, s31, $0xb8;
	[tilespmem:$0x1CD80] =	vst v63  }
0x108: {  	_ =	swait.ge [sflag:s20], $0x2000  }
0x109: {  	[sflag:s20] =	ssyncset.done $0x0  }
0x10a: {  	s25 =	sadd.s32 $0x180, s24;
	[sflag:s20] =	ssyncadd.s32 $0xFFFFE000  }
0x10b: {  	[tilespmem:s7], [sflag:$0x3] =	stream.indirect.gather [hbm4b:s1+s31], $0x80, s25, s31, $0xb8;
	[tilespmem:$0x1CD80] =	vst v63  }
0x10c: {  	_ =	swait.ge [sflag:s8], $0x2000  }
0x10d: {  	[sflag:s8] =	ssyncset.done $0x0  }
0x10e: {  	s25 =	sadd.s32 $0xBC0, s24;
	[sflag:s8] =	ssyncadd.s32 $0xFFFFE000  }
0x10f: {  	[spmem:s2] =	stream.indirect.scatter.add.f32 [tilespmem:s0], [sflag:$0x6], $0x80, s25, s31, $0xb8;
	[tilespmem:$0x1CD80] =	vst v63  }
0x110: {  	_ =	swait.ge [sflag:s21], $0x2000  }
0x111: {  	[sflag:s21] =	ssyncset.done $0x0  }
0x112: {  	s25 =	sadd.s32 $0x1C0, s24;
	[sflag:s21] =	ssyncadd.s32 $0xFFFFE000  }
0x113: {  	[tilespmem:s11], [sflag:$0x4] =	stream.indirect.gather [hbm4b:s1+s31], $0x80, s25, s31, $0xb8;
	[tilespmem:$0x1CD80] =	vst v63  }
0x114: {  	_ =	swait.ge [sflag:s12], $0x2000  }
0x115: {  	p1 =	seq.s32 s23, $0x2000;
	[sflag:s12] =	ssyncset.done $0x0  }
.Ltmp5:
0x116: {  	s25 =	sadd.s32 $0xC00, s24;
	[sflag:s12] =	ssyncadd.s32 $0xFFFFE000;
	(pc) =	sbr.rel @p1 .LBB2_9-.Ltmp5, $4  }
0x117: {  	[spmem:s2] =	stream.indirect.scatter.add.f32 [tilespmem:s7], [sflag:$0x7], $0x80, s25, s31, $0xb8;
	[tilespmem:$0x1CD80] =	vst v63  }
0x118: {  	_ =	swait.ge [sflag:s14], $0x2000  }
0x119: {  	[sflag:s14] =	ssyncset.done $0x0  }
0x11a: {  	s25 =	sadd.s32 $0xC40, s24;
	[sflag:s14] =	ssyncadd.s32 $0xFFFFE000  }
0x11b: {  	s22 =	sadd.s32 $0x200, s24  }
0x11c: {  	[tilespmem:s28], [sflag:$0x1] =	stream.indirect.gather [hbm4b:s1+s31], $0x80, s22, s31, $0xb8;
	[tilespmem:$0x1CD80] =	vst v63  }
0x11d: {  	_ =	swait.ge [sflag:s16], $0x2000  }
0x11e: {  	[sflag:s16] =	ssyncset.done $0x0  }
0x11f: {  	[sflag:s16] =	ssyncadd.s32 $0xFFFFE000  }
0x120: {  	[spmem:s2] =	stream.indirect.scatter.add.f32 [tilespmem:s11], [sflag:$0x8], $0x80, s25, s31, $0xb8;
	[tilespmem:$0x1CD80] =	vst v63  }
.Ltmp6:
0x121: {  	_ = 	snop;
	(pc) =	sbr.rel .LBB2_7-.Ltmp6, $4  }
0x122: {  	_ =	swait.ge [sflag:s18], $0x2000  }
0x123: {  	[sflag:s18] =	ssyncset.done $0x0  }
0x124: {  	s23 =	sadd.s32 $0x400, s23;
	s25 =	sadd.s32 $0x240, s24;
	[sflag:s18] =	ssyncadd.s32 $0xFFFFE000  }
0x125: {  	[tilespmem:s0], [sflag:$0x2] =	stream.indirect.gather [hbm4b:s1+s31], $0x80, s25, s31, $0xb8;
	[tilespmem:$0x1CD80] =	vst v63  }
.LBB2_9:
0x126: {  	_ =	swait.ge [sflag:s16], $0x2000  }
0x127: {  	[sflag:s16] =	ssyncset.done $0x0  }
0x128: {  	[sflag:s16] =	ssyncadd.s32 $0xFFFFE000  }
0x129: {  	[spmem:s2] =	stream.indirect.scatter.add.f32 [tilespmem:s11], [sflag:$0x8], $0x80, s25, s31, $0xb8;
	[tilespmem:$0x1CD80] =	vst v63  }
0x12a: {  	_ =	swait.ge [sflag:s18], $0x2000  }
0x12b: {  	[sflag:s18] =	ssyncset.done $0x0  }
0x12c: {  	[sflag:s18] =	ssyncadd.s32 $0xFFFFE000  }
0x12d: {  	_ =	swait.ge [sflag:s20], $0x2000  }
0x12e: {  	[sflag:s20] =	ssyncset.done $0x0  }
0x12f: {  	[sflag:s20] =	ssyncadd.s32 $0xFFFFE000  }
0x130: {  	_ =	swait.ge [sflag:s21], $0x2000  }
0x131: {  	[sflag:s21] =	ssyncset.done $0x0  }
0x132: {  	s23 =	simm.s32 $0x0;
	s22 =	rddreg [dreg:$0xf];
	[sflag:s21] =	ssyncadd.s32 $0xFFFFE000  }
0x133: {  	[tilespmem:s23], [sflag:$0x9] =	stream.linear.gather [hbm4b:s22+s23], $0xA00, $0x38;
	[tilespmem:$0x1CD80] =	vst v63  }
0x134: {  	_ =	swait.ge [sflag:s29], $0xA00  }
0x135: {  	[sflag:s29] =	ssyncset.done $0x0  }
0x136: {  	s25 =	rddreg [dreg:$0x10];
	[sflag:s29] =	ssyncadd.s32 $0xFFFFF600  }
0x137: {  	[tilespmem:s30], [sflag:$0x9] =	stream.linear.gather [hbm4b:s25+s23], $0xA00, $0x38;
	[tilespmem:$0x1CD80] =	vst v63  }
0x138: {  	_ =	swait.ge [sflag:s29], $0xA00  }
0x139: {  	[sflag:s29] =	ssyncset.done $0x0  }
0x13a: {  	[sflag:s29] =	ssyncadd.s32 $0xFFFFF600  }
0x13b: {  	[tilespmem:s28], [sflag:$0x1] =	stream.indirect.gather [hbm4b:s1+s31], $0x80, s23, s31, $0xb8;
	[tilespmem:$0x1CD80] =	vst v63  }
0x13c: {  	_ = 	snop  }
0x13d: {  	[tilespmem:s0], [sflag:$0x2] =	stream.indirect.gather [hbm4b:s1+s31], $0x80, s31, s31, $0xb8;
	[tilespmem:$0x1CD80] =	vst v63  }
0x13e: {  	_ =	swait.ge [sflag:s4], $0x2000  }
0x13f: {  	[sflag:s4] =	ssyncset.done $0x0  }
0x140: {  	[sflag:s4] =	ssyncadd.s32 $0xFFFFE000  }
0x141: {  	[spmem:s2] =	stream.indirect.scatter.add.f32 [tilespmem:s28], [sflag:$0x5], $0x80, s30, s31, $0xb8;
	[tilespmem:$0x1CD80] =	vst v63  }
0x142: {  	_ = 	snop  }
0x143: {  	[tilespmem:s7], [sflag:$0x3] =	stream.indirect.gather [hbm4b:s1+s31], $0x80, s6, s31, $0xb8;
	[tilespmem:$0x1CD80] =	vst v63  }
0x144: {  	_ =	swait.ge [sflag:s8], $0x2000  }
0x145: {  	[sflag:s8] =	ssyncset.done $0x0  }
0x146: {  	[sflag:s8] =	ssyncadd.s32 $0xFFFFE000  }
0x147: {  	[spmem:s2] =	stream.indirect.scatter.add.f32 [tilespmem:s0], [sflag:$0x6], $0x80, s9, s31, $0xb8;
	[tilespmem:$0x1CD80] =	vst v63  }
0x148: {  	_ = 	snop  }
0x149: {  	[tilespmem:s11], [sflag:$0x4] =	stream.indirect.gather [hbm4b:s1+s31], $0x80, s10, s31, $0xb8;
	[tilespmem:$0x1CD80] =	vst v63  }
0x14a: {  	_ =	swait.ge [sflag:s12], $0x2000  }
0x14b: {  	[sflag:s12] =	ssyncset.done $0x0  }
0x14c: {  	[sflag:s12] =	ssyncadd.s32 $0xFFFFE000  }
0x14d: {  	[spmem:s2] =	stream.indirect.scatter.add.f32 [tilespmem:s7], [sflag:$0x7], $0x80, s13, s31, $0xb8;
	[tilespmem:$0x1CD80] =	vst v63  }
0x14e: {  	_ =	swait.ge [sflag:s14], $0x2000  }
0x14f: {  	[sflag:s14] =	ssyncset.done $0x0  }
0x150: {  	[sflag:s14] =	ssyncadd.s32 $0xFFFFE000  }
0x151: {  	[tilespmem:s28], [sflag:$0x1] =	stream.indirect.gather [hbm4b:s1+s31], $0x80, s15, s31, $0xb8;
	[tilespmem:$0x1CD80] =	vst v63  }
0x152: {  	_ =	swait.ge [sflag:s16], $0x2000  }
0x153: {  	[sflag:s16] =	ssyncset.done $0x0  }
0x154: {  	[sflag:s16] =	ssyncadd.s32 $0xFFFFE000  }
0x155: {  	[spmem:s2] =	stream.indirect.scatter.add.f32 [tilespmem:s11], [sflag:$0x8], $0x80, s17, s31, $0xb8;
	[tilespmem:$0x1CD80] =	vst v63  }
0x156: {  	_ =	swait.ge [sflag:s18], $0x2000  }
0x157: {  	[sflag:s18] =	ssyncset.done $0x0  }
0x158: {  	[sflag:s18] =	ssyncadd.s32 $0xFFFFE000  }
0x159: {  	[tilespmem:s0], [sflag:$0x2] =	stream.indirect.gather [hbm4b:s1+s31], $0x80, s19, s31, $0xb8;
	[tilespmem:$0x1CD80] =	vst v63  }
.LBB2_10:
0x15a: {  	_ =	swait.ge [sflag:s4], $0x2000  }
0x15b: {  	s24 =	sshra.s32 s23, $0x2;
	[sflag:s4] =	ssyncset.done $0x0  }
0x15c: {  	s22 =	sadd.s32 $0xB80, s24;
	[sflag:s4] =	ssyncadd.s32 $0xFFFFE000  }
0x15d: {  	[spmem:s2] =	stream.indirect.scatter.add.f32 [tilespmem:s28], [sflag:$0x5], $0x80, s22, s31, $0xb8;
	[tilespmem:$0x1CD80] =	vst v63  }
0x15e: {  	_ =	swait.ge [sflag:s20], $0x2000  }
0x15f: {  	[sflag:s20] =	ssyncset.done $0x0  }
0x160: {  	s25 =	sadd.s32 $0x180, s24;
	[sflag:s20] =	ssyncadd.s32 $0xFFFFE000  }
0x161: {  	[tilespmem:s7], [sflag:$0x3] =	stream.indirect.gather [hbm4b:s1+s31], $0x80, s25, s31, $0xb8;
	[tilespmem:$0x1CD80] =	vst v63  }
0x162: {  	_ =	swait.ge [sflag:s8], $0x2000  }
0x163: {  	[sflag:s8] =	ssyncset.done $0x0  }
0x164: {  	s25 =	sadd.s32 $0xBC0, s24;
	[sflag:s8] =	ssyncadd.s32 $0xFFFFE000  }
0x165: {  	[spmem:s2] =	stream.indirect.scatter.add.f32 [tilespmem:s0], [sflag:$0x6], $0x80, s25, s31, $0xb8;
	[tilespmem:$0x1CD80] =	vst v63  }
0x166: {  	_ =	swait.ge [sflag:s21], $0x2000  }
0x167: {  	[sflag:s21] =	ssyncset.done $0x0  }
0x168: {  	s25 =	sadd.s32 $0x1C0, s24;
	[sflag:s21] =	ssyncadd.s32 $0xFFFFE000  }
0x169: {  	[tilespmem:s11], [sflag:$0x4] =	stream.indirect.gather [hbm4b:s1+s31], $0x80, s25, s31, $0xb8;
	[tilespmem:$0x1CD80] =	vst v63  }
0x16a: {  	_ =	swait.ge [sflag:s12], $0x2000  }
0x16b: {  	p1 =	seq.s32 s23, $0x2000;
	[sflag:s12] =	ssyncset.done $0x0  }
.Ltmp7:
0x16c: {  	s25 =	sadd.s32 $0xC00, s24;
	[sflag:s12] =	ssyncadd.s32 $0xFFFFE000;
	(pc) =	sbr.rel @p1 .LBB2_12-.Ltmp7, $4  }
0x16d: {  	[spmem:s2] =	stream.indirect.scatter.add.f32 [tilespmem:s7], [sflag:$0x7], $0x80, s25, s31, $0xb8;
	[tilespmem:$0x1CD80] =	vst v63  }
0x16e: {  	_ =	swait.ge [sflag:s14], $0x2000  }
0x16f: {  	[sflag:s14] =	ssyncset.done $0x0  }
0x170: {  	s25 =	sadd.s32 $0xC40, s24;
	[sflag:s14] =	ssyncadd.s32 $0xFFFFE000  }
0x171: {  	s22 =	sadd.s32 $0x200, s24  }
0x172: {  	[tilespmem:s28], [sflag:$0x1] =	stream.indirect.gather [hbm4b:s1+s31], $0x80, s22, s31, $0xb8;
	[tilespmem:$0x1CD80] =	vst v63  }
0x173: {  	_ =	swait.ge [sflag:s16], $0x2000  }
0x174: {  	[sflag:s16] =	ssyncset.done $0x0  }
0x175: {  	[sflag:s16] =	ssyncadd.s32 $0xFFFFE000  }
0x176: {  	[spmem:s2] =	stream.indirect.scatter.add.f32 [tilespmem:s11], [sflag:$0x8], $0x80, s25, s31, $0xb8;
	[tilespmem:$0x1CD80] =	vst v63  }
.Ltmp8:
0x177: {  	_ = 	snop;
	(pc) =	sbr.rel .LBB2_10-.Ltmp8, $4  }
0x178: {  	_ =	swait.ge [sflag:s18], $0x2000  }
0x179: {  	[sflag:s18] =	ssyncset.done $0x0  }
0x17a: {  	s23 =	sadd.s32 $0x400, s23;
	s25 =	sadd.s32 $0x240, s24;
	[sflag:s18] =	ssyncadd.s32 $0xFFFFE000  }
0x17b: {  	[tilespmem:s0], [sflag:$0x2] =	stream.indirect.gather [hbm4b:s1+s31], $0x80, s25, s31, $0xb8;
	[tilespmem:$0x1CD80] =	vst v63  }
.LBB2_12:
0x17c: {  	_ =	swait.ge [sflag:s16], $0x2000  }
0x17d: {  	[sflag:s16] =	ssyncset.done $0x0  }
0x17e: {  	[sflag:s16] =	ssyncadd.s32 $0xFFFFE000  }
0x17f: {  	[spmem:s2] =	stream.indirect.scatter.add.f32 [tilespmem:s11], [sflag:$0x8], $0x80, s25, s31, $0xb8;
	[tilespmem:$0x1CD80] =	vst v63  }
0x180: {  	_ =	swait.ge [sflag:s18], $0x2000  }
0x181: {  	[sflag:s18] =	ssyncset.done $0x0  }
0x182: {  	[sflag:s18] =	ssyncadd.s32 $0xFFFFE000  }
0x183: {  	_ =	swait.ge [sflag:s20], $0x2000  }
0x184: {  	[sflag:s20] =	ssyncset.done $0x0  }
0x185: {  	[sflag:s20] =	ssyncadd.s32 $0xFFFFE000  }
0x186: {  	_ =	swait.ge [sflag:s21], $0x2000  }
0x187: {  	[sflag:s21] =	ssyncset.done $0x0  }
0x188: {  	s23 =	simm.s32 $0x0;
	s22 =	rddreg [dreg:$0x11];
	[sflag:s21] =	ssyncadd.s32 $0xFFFFE000  }
0x189: {  	[tilespmem:s23], [sflag:$0x9] =	stream.linear.gather [hbm4b:s22+s23], $0x910, $0x38;
	[tilespmem:$0x1CD80] =	vst v63  }
0x18a: {  	_ =	swait.ge [sflag:s29], $0x910  }
0x18b: {  	[sflag:s29] =	ssyncset.done $0x0  }
0x18c: {  	s25 =	rddreg [dreg:$0x12];
	[sflag:s29] =	ssyncadd.s32 $0xFFFFF6F0  }
0x18d: {  	[tilespmem:s30], [sflag:$0x9] =	stream.linear.gather [hbm4b:s25+s23], $0x910, $0x38;
	[tilespmem:$0x1CD80] =	vst v63  }
0x18e: {  	_ =	swait.ge [sflag:s29], $0x910  }
0x18f: {  	[sflag:s29] =	ssyncset.done $0x0  }
0x190: {  	[sflag:s29] =	ssyncadd.s32 $0xFFFFF6F0  }
0x191: {  	[tilespmem:s28], [sflag:$0x1] =	stream.indirect.gather [hbm4b:s1+s31], $0x80, s23, s31, $0xb8;
	[tilespmem:$0x1CD80] =	vst v63  }
0x192: {  	_ = 	snop  }
0x193: {  	[tilespmem:s0], [sflag:$0x2] =	stream.indirect.gather [hbm4b:s1+s31], $0x80, s31, s31, $0xb8;
	[tilespmem:$0x1CD80] =	vst v63  }
0x194: {  	_ =	swait.ge [sflag:s4], $0x2000  }
0x195: {  	[sflag:s4] =	ssyncset.done $0x0  }
0x196: {  	[sflag:s4] =	ssyncadd.s32 $0xFFFFE000  }
0x197: {  	[spmem:s2] =	stream.indirect.scatter.add.f32 [tilespmem:s28], [sflag:$0x5], $0x80, s30, s31, $0xb8;
	[tilespmem:$0x1CD80] =	vst v63  }
0x198: {  	_ = 	snop  }
0x199: {  	[tilespmem:s7], [sflag:$0x3] =	stream.indirect.gather [hbm4b:s1+s31], $0x80, s6, s31, $0xb8;
	[tilespmem:$0x1CD80] =	vst v63  }
0x19a: {  	_ =	swait.ge [sflag:s8], $0x2000  }
0x19b: {  	[sflag:s8] =	ssyncset.done $0x0  }
0x19c: {  	[sflag:s8] =	ssyncadd.s32 $0xFFFFE000  }
0x19d: {  	[spmem:s2] =	stream.indirect.scatter.add.f32 [tilespmem:s0], [sflag:$0x6], $0x80, s9, s31, $0xb8;
	[tilespmem:$0x1CD80] =	vst v63  }
0x19e: {  	_ = 	snop  }
0x19f: {  	[tilespmem:s11], [sflag:$0x4] =	stream.indirect.gather [hbm4b:s1+s31], $0x80, s10, s31, $0xb8;
	[tilespmem:$0x1CD80] =	vst v63  }
0x1a0: {  	_ =	swait.ge [sflag:s12], $0x2000  }
0x1a1: {  	[sflag:s12] =	ssyncset.done $0x0  }
0x1a2: {  	[sflag:s12] =	ssyncadd.s32 $0xFFFFE000  }
0x1a3: {  	[spmem:s2] =	stream.indirect.scatter.add.f32 [tilespmem:s7], [sflag:$0x7], $0x80, s13, s31, $0xb8;
	[tilespmem:$0x1CD80] =	vst v63  }
0x1a4: {  	_ =	swait.ge [sflag:s14], $0x2000  }
0x1a5: {  	[sflag:s14] =	ssyncset.done $0x0  }
0x1a6: {  	[sflag:s14] =	ssyncadd.s32 $0xFFFFE000  }
0x1a7: {  	[tilespmem:s28], [sflag:$0x1] =	stream.indirect.gather [hbm4b:s1+s31], $0x80, s15, s31, $0xb8;
	[tilespmem:$0x1CD80] =	vst v63  }
0x1a8: {  	_ =	swait.ge [sflag:s16], $0x2000  }
0x1a9: {  	[sflag:s16] =	ssyncset.done $0x0  }
0x1aa: {  	[sflag:s16] =	ssyncadd.s32 $0xFFFFE000  }
0x1ab: {  	[spmem:s2] =	stream.indirect.scatter.add.f32 [tilespmem:s11], [sflag:$0x8], $0x80, s17, s31, $0xb8;
	[tilespmem:$0x1CD80] =	vst v63  }
0x1ac: {  	_ =	swait.ge [sflag:s18], $0x2000  }
0x1ad: {  	[sflag:s18] =	ssyncset.done $0x0  }
0x1ae: {  	[sflag:s18] =	ssyncadd.s32 $0xFFFFE000  }
0x1af: {  	[tilespmem:s0], [sflag:$0x2] =	stream.indirect.gather [hbm4b:s1+s31], $0x80, s19, s31, $0xb8;
	[tilespmem:$0x1CD80] =	vst v63  }
.LBB2_13:
0x1b0: {  	_ =	swait.ge [sflag:s4], $0x2000  }
0x1b1: {  	s24 =	sshra.s32 s23, $0x2;
	[sflag:s4] =	ssyncset.done $0x0  }
0x1b2: {  	s22 =	sadd.s32 $0xB80, s24;
	[sflag:s4] =	ssyncadd.s32 $0xFFFFE000  }
0x1b3: {  	[spmem:s2] =	stream.indirect.scatter.add.f32 [tilespmem:s28], [sflag:$0x5], $0x80, s22, s31, $0xb8;
	[tilespmem:$0x1CD80] =	vst v63  }
0x1b4: {  	_ =	swait.ge [sflag:s20], $0x2000  }
0x1b5: {  	[sflag:s20] =	ssyncset.done $0x0  }
0x1b6: {  	s25 =	sadd.s32 $0x180, s24;
	[sflag:s20] =	ssyncadd.s32 $0xFFFFE000  }
0x1b7: {  	[tilespmem:s7], [sflag:$0x3] =	stream.indirect.gather [hbm4b:s1+s31], $0x80, s25, s31, $0xb8;
	[tilespmem:$0x1CD80] =	vst v63  }
0x1b8: {  	_ =	swait.ge [sflag:s8], $0x2000  }
0x1b9: {  	[sflag:s8] =	ssyncset.done $0x0  }
0x1ba: {  	s25 =	sadd.s32 $0xBC0, s24;
	[sflag:s8] =	ssyncadd.s32 $0xFFFFE000  }
0x1bb: {  	[spmem:s2] =	stream.indirect.scatter.add.f32 [tilespmem:s0], [sflag:$0x6], $0x80, s25, s31, $0xb8;
	[tilespmem:$0x1CD80] =	vst v63  }
0x1bc: {  	_ =	swait.ge [sflag:s21], $0x2000  }
0x1bd: {  	[sflag:s21] =	ssyncset.done $0x0  }
0x1be: {  	s25 =	sadd.s32 $0x1C0, s24;
	[sflag:s21] =	ssyncadd.s32 $0xFFFFE000  }
0x1bf: {  	[tilespmem:s11], [sflag:$0x4] =	stream.indirect.gather [hbm4b:s1+s31], $0x80, s25, s31, $0xb8;
	[tilespmem:$0x1CD80] =	vst v63  }
0x1c0: {  	_ =	swait.ge [sflag:s12], $0x2000  }
0x1c1: {  	p1 =	seq.s32 s23, $0x1C00;
	[sflag:s12] =	ssyncset.done $0x0  }
.Ltmp9:
0x1c2: {  	s25 =	sadd.s32 $0xC00, s24;
	[sflag:s12] =	ssyncadd.s32 $0xFFFFE000;
	(pc) =	sbr.rel @p1 .LBB2_15-.Ltmp9, $4  }
0x1c3: {  	[spmem:s2] =	stream.indirect.scatter.add.f32 [tilespmem:s7], [sflag:$0x7], $0x80, s25, s31, $0xb8;
	[tilespmem:$0x1CD80] =	vst v63  }
0x1c4: {  	_ =	swait.ge [sflag:s14], $0x2000  }
0x1c5: {  	[sflag:s14] =	ssyncset.done $0x0  }
0x1c6: {  	s25 =	sadd.s32 $0xC40, s24;
	[sflag:s14] =	ssyncadd.s32 $0xFFFFE000  }
0x1c7: {  	s22 =	sadd.s32 $0x200, s24  }
0x1c8: {  	[tilespmem:s28], [sflag:$0x1] =	stream.indirect.gather [hbm4b:s1+s31], $0x80, s22, s31, $0xb8;
	[tilespmem:$0x1CD80] =	vst v63  }
0x1c9: {  	_ =	swait.ge [sflag:s16], $0x2000  }
0x1ca: {  	[sflag:s16] =	ssyncset.done $0x0  }
0x1cb: {  	[sflag:s16] =	ssyncadd.s32 $0xFFFFE000  }
0x1cc: {  	[spmem:s2] =	stream.indirect.scatter.add.f32 [tilespmem:s11], [sflag:$0x8], $0x80, s25, s31, $0xb8;
	[tilespmem:$0x1CD80] =	vst v63  }
.Ltmp10:
0x1cd: {  	_ = 	snop;
	(pc) =	sbr.rel .LBB2_13-.Ltmp10, $4  }
0x1ce: {  	_ =	swait.ge [sflag:s18], $0x2000  }
0x1cf: {  	[sflag:s18] =	ssyncset.done $0x0  }
0x1d0: {  	s23 =	sadd.s32 $0x400, s23;
	s25 =	sadd.s32 $0x240, s24;
	[sflag:s18] =	ssyncadd.s32 $0xFFFFE000  }
0x1d1: {  	[tilespmem:s0], [sflag:$0x2] =	stream.indirect.gather [hbm4b:s1+s31], $0x80, s25, s31, $0xb8;
	[tilespmem:$0x1CD80] =	vst v63  }
.LBB2_16:
0x1d2: {  	_ =	sfence.sel $0x180000  }
0x1d3: {  	[bflag:$0x0] =	sbarrier.arrive $0xFFFF  }
0x1d4: {  	_ =	strace $0x90000047  }
0x1d5: {  	s0 =	stileid.u32;
	[bflag:$0x2] =	sbarrier.arrive $0xFFFF  }
0x1d6: {  	p0 =	sne.s32 s0, $0x0;
	s0 =	rddreg [dreg:$0x3]  }
0x1d7: {  	s0 =	sadd.s32 @!p0 $0x100000, s0  }
0x1d8: {  	[sflag:s0] =	ssyncadd.tile.s32 @!p0 $0x1;
	_ =	shalt  }
.Lfunc_end2:
_tile_overlayer_lowered:
.L_overlay_start_2:
0x1d9: {  	(tag) =	ssettag $0x2  }
0x1da: {  	s0 =	rddreg [dreg:$0x0];
	s2 =	stileid.u32  }
0x1db: {  	s1 =	rddreg [dreg:$0x1];
	p0 =	sne.s32 s2, $0x0  }
0x1dc: {  	s3 =	rddreg [dreg:$0x2];
	[bflag:$0x3] =	sbarrier.arrive $0xFFFF;
	s2 =	simm.s32 @!p0 $0x1C09  }
0x1dd: {  	[timem:s3], [sflag:s2] =	dma.local @!p0 [hbm:s0], s1  }
0x1de: {  	s0 =	simm.s32 @!p0 $0x9  }
0x1df: {  	_ =	swait.ge @!p0 [sflag:s0], s1  }
0x1e0: {  	s1 =	ssub.s32 @!p0 $0x0, s1;
	[sflag:s0] =	ssyncset.done @!p0 $0x0  }
0x1e1: {  	[sflag:s0] =	ssyncadd.s32 @!p0 s1  }
0x1e2: {  	[bflag:$0x3] =	sbarrier.arrive $0xFFFF  }
0x1e3: {  	_ =	shalt  }

</sc_bundles>
